<compile_context>
chip_gen: v7x
topology: tpu7x:2x2x1
jax: 0.10.2.dev20260603
libtpu: 0.0.44.dev20260713+nightly
codegen_flags: <defaults>
</compile_context>

<pallas_src>
import functools
import jax
import jax.numpy as jnp
from jax import lax
from jax.experimental import pallas as pl
from jax.experimental.pallas import tpu as pltpu
from jax.experimental.pallas import tpu_sc as plsc

N = 10000
E = 320000
F = 128
G = 64

NC = 2
NS = 16
NW = NC * NS
EPT = E // NW
NPAD = 10240

CHD = 80
NCHD = EPT // CHD

CHS = 80
NCHS = EPT // CHS

_mesh = plsc.VectorSubcoreMesh(core_axis_name="c", subcore_axis_name="s")



@functools.partial(
    pl.kernel,
    out_type=jax.ShapeDtypeStruct((NC, NPAD, F), jnp.float32),
    mesh=_mesh,
    scratch_types=[
        pltpu.VMEM((NCHD, CHD), jnp.int32),
        pltpu.VMEM((CHD, F), jnp.float32),
        pltpu.VMEM((8, F), jnp.float32),
        pltpu.VMEM_SHARED((NPAD, F), jnp.float32),
        pltpu.SemaphoreType.DMA,
        pltpu.SemaphoreType.DMA,
        pltpu.SemaphoreType.DMA,
        pltpu.SemaphoreType.DMA,
    ],
)
def _deg_kernel(rows_hbm, out_hbm, idx_v, ones_v, zb_v, acc_sh,
                sm0, sm1, sm2, sm3):
    c = lax.axis_index("c")
    s = lax.axis_index("s")
    w = s * NC + c
    sems = (sm0, sm1, sm2, sm3)

    def fill(q, _):
        zb_v[q // 8, pl.ds((q % 8) * 16, 16)] = jnp.zeros((16,), jnp.float32)
        return 0
    lax.fori_loop(0, 64, fill, 0)

    def fill1(q, _):
        ones_v[q // 8, pl.ds((q % 8) * 16, 16)] = jnp.ones((16,), jnp.float32)
        return 0
    lax.fori_loop(0, CHD * 8, fill1, 0)

    def zloop(t, _):
        pltpu.sync_copy(zb_v, acc_sh.at[pl.ds(s * 640 + t * 8, 8)])
        return 0
    lax.fori_loop(0, 80, zloop, 0)
    plsc.subcore_barrier()

    pltpu.sync_copy(rows_hbm.at[w], idx_v)

    def sis(j, k):
        pltpu.async_copy(ones_v, acc_sh.at[idx_v.at[j]], sems[k], add=True)

    def swt(j, k):
        pltpu.make_async_copy(ones_v, acc_sh.at[idx_v.at[j]], sems[k]).wait()

    sis(0, 0)
    sis(1, 1)

    def body(t, _):
        j0 = 2 * t
        swt(j0, 0)
        sis(j0 + 2, 0)
        swt(j0 + 1, 1)
        sis(j0 + 3, 1)
        return 0
    lax.fori_loop(0, (NCHD - 3) // 2, body, 0)
    swt(NCHD - 3, 0)
    sis(NCHD - 1, 0)
    swt(NCHD - 2, 1)
    swt(NCHD - 1, 0)

    plsc.subcore_barrier()

    def wloop(t, _):
        pltpu.sync_copy(acc_sh.at[pl.ds(s * 640 + t * 8, 8)], zb_v)
        pltpu.sync_copy(zb_v, out_hbm.at[c, pl.ds(s * 640 + t * 8, 8)])
        return 0
    lax.fori_loop(0, 80, wloop, 0)



@functools.partial(
    pl.kernel,
    out_type=jax.ShapeDtypeStruct((NC, NPAD, F), jnp.float32),
    mesh=_mesh,
    scratch_types=[
        pltpu.VMEM((NCHS, CHS), jnp.int32),
        pltpu.VMEM((2, 1, CHS), jnp.int32),
        pltpu.VMEM((2, CHS, F), jnp.float32),
        pltpu.VMEM((8, F), jnp.float32),
        pltpu.VMEM_SHARED((NPAD, F), jnp.float32),
        pltpu.SemaphoreType.DMA,
        pltpu.SemaphoreType.DMA,
        pltpu.SemaphoreType.DMA,
        pltpu.SemaphoreType.DMA,
    ],
)
def _scat_kernel(rows_hbm, cols_hbm, hs_hbm, out_hbm, ridx_v, cidx_v, rows_v,
                 zb_v, acc_sh, semg0, semg1, semc0, semc1):
    c = lax.axis_index("c")
    s = lax.axis_index("s")
    w = s * NC + c

    def fill(q, _):
        zb_v[q // 8, pl.ds((q % 8) * 16, 16)] = jnp.zeros((16,), jnp.float32)
        return 0
    lax.fori_loop(0, 64, fill, 0)

    def zloop(t, _):
        pltpu.sync_copy(zb_v, acc_sh.at[pl.ds(s * 640 + t * 8, 8)])
        return 0
    lax.fori_loop(0, 80, zloop, 0)
    plsc.subcore_barrier()

    pltpu.sync_copy(rows_hbm.at[w], ridx_v)

    def g(j, p, sem):
        return pltpu.async_copy(hs_hbm.at[ridx_v.at[j]], rows_v.at[p], sem)

    def gwait(j, p, sem):
        pltpu.make_async_copy(hs_hbm.at[ridx_v.at[j]], rows_v.at[p],
                              sem).wait()

    def cld(j, p, sem):
        return pltpu.async_copy(cols_hbm.at[w, j], cidx_v.at[p], sem)

    def cwait(j, p, sem):
        pltpu.make_async_copy(cols_hbm.at[w, j], cidx_v.at[p], sem).wait()

    def scat(p):
        pltpu.sync_copy(rows_v.at[p], acc_sh.at[cidx_v.at[p, 0]], add=True)

    cld(0, 0, semc0)
    cld(1, 1, semc1)
    g(0, 0, semg0)
    g(1, 1, semg1)

    def body(jj, _):
        j0 = 2 * jj
        gwait(j0, 0, semg0)
        cwait(j0, 0, semc0)
        scat(0)
        cld(j0 + 2, 0, semc0)
        g(j0 + 2, 0, semg0)
        gwait(j0 + 1, 1, semg1)
        cwait(j0 + 1, 1, semc1)
        scat(1)
        cld(j0 + 3, 1, semc1)
        g(j0 + 3, 1, semg1)
        return 0
    lax.fori_loop(0, (NCHS - 3) // 2, body, 0)

    gwait(NCHS - 3, 0, semg0)
    cwait(NCHS - 3, 0, semc0)
    scat(0)
    cld(NCHS - 1, 0, semc0)
    g(NCHS - 1, 0, semg0)
    gwait(NCHS - 2, 1, semg1)
    cwait(NCHS - 2, 1, semc1)
    scat(1)
    gwait(NCHS - 1, 0, semg0)
    cwait(NCHS - 1, 0, semc0)
    scat(0)

    plsc.subcore_barrier()

    def wloop(t, _):
        pltpu.sync_copy(acc_sh.at[pl.ds(s * 640 + t * 8, 8)], zb_v)
        pltpu.sync_copy(zb_v, out_hbm.at[c, pl.ds(s * 640 + t * 8, 8)])
        return 0
    lax.fori_loop(0, 80, wloop, 0)



_BR = 1000
_NB = N // _BR


def _dis_of(deg2_ref):
    d = deg2_ref[0, :, :1] + deg2_ref[1, :, :1]
    return jnp.where(d > 0.0, lax.rsqrt(jnp.where(d > 0.0, d, 1.0)), 0.0)


def _tc1_body(x_ref, w_ref, b_ref, h_ref):
    h_ref[...] = jnp.maximum(
        jnp.dot(x_ref[...], w_ref[...], preferred_element_type=jnp.float32)
        + b_ref[...], 0.0)


def _tc2_body(deg2_ref, h_ref, hs_ref):
    hs_ref[...] = _dis_of(deg2_ref) * h_ref[...]


def _tc3_body(h_ref, s2_ref, deg2_ref, bat_ref, w0_ref, w1_ref, b_ref,
              out_ref, pool_ref):
    i = pl.program_id(0)
    ssum = s2_ref[0] + s2_ref[1]
    tx1 = -(_dis_of(deg2_ref) * ssum)
    o = jnp.maximum(
        jnp.dot(h_ref[...], w0_ref[...], preferred_element_type=jnp.float32)
        + jnp.dot(tx1, w1_ref[...], preferred_element_type=jnp.float32)
        + b_ref[...], 0.0)
    out_ref[...] = o
    gids = lax.broadcasted_iota(jnp.int32, (_BR, G), 1).astype(jnp.float32)
    oh = jnp.where(bat_ref[...] == gids, 1.0, 0.0)
    p = lax.dot_general(oh, o, (((0,), (0,)), ((), ())),
                        preferred_element_type=jnp.float32)

    @pl.when(i == 0)
    def _():
        pool_ref[...] = p

    @pl.when(i > 0)
    def _():
        pool_ref[...] = pool_ref[...] + p


def kernel(x2, edge_index2, batch, lin0_W, lin0_b, cheb_W0, cheb_W1, cheb_b):
    ei = edge_index2.astype(jnp.int32)
    rows_deg = ei[0].reshape(NW, NCHD, CHD)
    rows_scat = ei[0].reshape(NW, NCHS, CHS)
    cols_scat = ei[1].reshape(NW, NCHS, 1, CHS)

    deg2 = _deg_kernel(rows_deg)

    h = pl.pallas_call(
        _tc1_body,
        grid=(_NB,),
        in_specs=[
            pl.BlockSpec((_BR, F), lambda i: (i, 0)),
            pl.BlockSpec((F, F), lambda i: (0, 0)),
            pl.BlockSpec((1, F), lambda i: (0, 0)),
        ],
        out_specs=pl.BlockSpec((_BR, F), lambda i: (i, 0)),
        out_shape=jax.ShapeDtypeStruct((N, F), jnp.float32),
    )(x2, lin0_W, lin0_b.reshape(1, F))

    hs = pl.pallas_call(
        _tc2_body,
        grid=(_NB,),
        in_specs=[
            pl.BlockSpec((2, _BR, F), lambda i: (0, i, 0)),
            pl.BlockSpec((_BR, F), lambda i: (i, 0)),
        ],
        out_specs=pl.BlockSpec((_BR, F), lambda i: (i, 0)),
        out_shape=jax.ShapeDtypeStruct((N, F), jnp.float32),
    )(deg2, h)

    s2 = _scat_kernel(rows_scat, cols_scat, hs)

    bat_col = batch.astype(jnp.float32).reshape(N, 1)

    out, pooled = pl.pallas_call(
        _tc3_body,
        grid=(_NB,),
        in_specs=[
            pl.BlockSpec((_BR, F), lambda i: (i, 0)),
            pl.BlockSpec((2, _BR, F), lambda i: (0, i, 0)),
            pl.BlockSpec((2, _BR, F), lambda i: (0, i, 0)),
            pl.BlockSpec((_BR, 1), lambda i: (i, 0)),
            pl.BlockSpec((F, F), lambda i: (0, 0)),
            pl.BlockSpec((F, F), lambda i: (0, 0)),
            pl.BlockSpec((1, F), lambda i: (0, 0)),
        ],
        out_specs=[
            pl.BlockSpec((_BR, F), lambda i: (i, 0)),
            pl.BlockSpec((G, F), lambda i: (0, 0)),
        ],
        out_shape=[
            jax.ShapeDtypeStruct((N, F), jnp.float32),
            jax.ShapeDtypeStruct((G, F), jnp.float32),
        ],
    )(h, s2, deg2, bat_col, cheb_W0, cheb_W1, cheb_b.reshape(1, F))

    return (pooled, out)

# --- scband reference (transcript-rebuilt; emitter-appended) ---
"""Pipeline reference for scband-java-encoder-10075993276846 (READ-ONLY COPY).

The authoritative reference and input builder live on the scoring server;
editing this copy changes nothing except your own understanding.
"""

import jax, jax.numpy as jnp
import numpy as np

N = 10000
E = 320000
F_IN = 128
DIM = 128
G = 64


def setup_inputs(seed: int = 0) -> dict:
    key = jax.random.key(seed)
    ks = jax.random.split(key, 6)
    x2 = jax.random.normal(ks[0], (N, F_IN), dtype=jnp.float32)
    edge_index2 = jax.random.randint(ks[1], (2, E), 0, N)
    batch = jnp.sort(jax.random.randint(ks[2], (N,), 0, G))
    lin0_W = jax.random.normal(ks[3], (F_IN, DIM), dtype=jnp.float32) * 0.05
    lin0_b = jnp.zeros((DIM,), dtype=jnp.float32)
    cheb_W0 = jax.random.normal(ks[4], (DIM, DIM), dtype=jnp.float32) * 0.05
    cheb_W1 = jax.random.normal(ks[5], (DIM, DIM), dtype=jnp.float32) * 0.05
    cheb_b = jnp.zeros((DIM,), dtype=jnp.float32)
    return {"x2": x2, "edge_index2": edge_index2, "batch": batch,
            "lin0_W": lin0_W, "lin0_b": lin0_b,
            "cheb_W0": cheb_W0, "cheb_W1": cheb_W1, "cheb_b": cheb_b}


def _cheb_conv(x, edge_index, W0, W1, b):
    # PyG ChebConv with K=2, normalization='sym', lambda_max defaults to 2.0.
    # Scaled Laplacian L_hat = (2/lambda_max) * L - I = -D^{-1/2} A D^{-1/2}
    # (the +1 diagonal from L and the -1 self-loop cancel exactly).
    row = edge_index[0]  # source j
    col = edge_index[1]  # target i
    ew = jnp.ones((edge_index.shape[1],), dtype=x.dtype)
    deg = jax.ops.segment_sum(ew, row, num_segments=x.shape[0])
    dis = jnp.where(deg > 0, 1.0 / jnp.sqrt(deg), 0.0)
    norm = dis[row] * ew * dis[col]
    w_hat = -norm
    Tx_0 = x
    msg = w_hat[:, None] * x[row]
    Tx_1 = jax.ops.segment_sum(msg, col, num_segments=x.shape[0])
    return Tx_0 @ W0 + Tx_1 @ W1 + b


def reference(x2, edge_index2, batch, lin0_W, lin0_b, cheb_W0, cheb_W1, cheb_b):
    out = jax.nn.relu(x2 @ lin0_W + lin0_b)
    out = jax.nn.relu(_cheb_conv(out, edge_index2, cheb_W0, cheb_W1, cheb_b))
    feat = out
    pooled = jax.ops.segment_sum(out, batch, num_segments=G)
    return (pooled, feat)

if __name__ == "__main__":
    import jax
    _d = setup_inputs()
    print(jax.jit(kernel)(*tuple(_d.values())))

</pallas_src>

<mosaic_0001>
#map = affine_map<(d0, d1) -> (0, 0, 0)>
module attributes {stable_mosaic.version = 14 : i64} {
  func.func @_deg_kernel(%arg0: i32, %arg1: i32, %arg2: memref<32x125x80xi32, #tpu.memory_space<hbm>>, %arg3: memref<2x10240x128xf32, #tpu.memory_space<hbm>>, %arg4: memref<125x80xi32, #tpu.memory_space<vmem>>, %arg5: memref<80x128xf32, #tpu.memory_space<vmem>>, %arg6: memref<8x128xf32, #tpu.memory_space<vmem>>, %arg7: memref<10240x128xf32, #tpu.memory_space<vmem_shared>>, %arg8: memref<!tpu.dma_semaphore, #tpu.memory_space<semaphore_mem>>, %arg9: memref<!tpu.dma_semaphore, #tpu.memory_space<semaphore_mem>>, %arg10: memref<!tpu.dma_semaphore, #tpu.memory_space<semaphore_mem>>, %arg11: memref<!tpu.dma_semaphore, #tpu.memory_space<semaphore_mem>>) attributes {dimension_semantics = [#tpu.dimension_semantics<core_parallel>, #tpu.dimension_semantics<subcore_parallel>], iteration_bounds = array<i64: 2, 16>, scalar_prefetch = 0 : i64, scratch_operands = 8 : i64, tpu.core_type = #tpu.core_type<sc_vector_subcore>, window_params = [{transform_indices = #map}, {transform_indices = #map}]} {
    %mul3A = arith.constant 2 : i32
    %mul3A_0 = arith.muli %arg1, %mul3A : i32
    %add3A = arith.addi %mul3A_0, %arg0 : i32
    %scan3A = arith.constant 0 : i32
    %scan3A_1 = arith.constant 0 : i32
    %scan3A_2 = arith.constant 64 : i32
    %scan3A_3 = arith.addi %scan3A_1, %scan3A_2 : i32
    %scan3A_4 = arith.constant 1 : i32
    %scan3A_5 = scf.for %scan3A_76 = %scan3A_1 to %scan3A_3 step %scan3A_4 iter_args(%scan3A_77 = %scan3A) -> (i32)  : i32 {
      %broadcast_in_dim3A = arith.constant 0.000000e+00 : f32
      %broadcast_in_dim3A_78 = vector.broadcast %broadcast_in_dim3A : f32 to vector<16xf32>
      %jit3A = arith.constant 8 : i32
      %div3A = arith.divsi %scan3A_76, %jit3A : i32
      %sign3A = arith.constant 0 : i32
      %sign3A_79 = arith.cmpi sgt, %scan3A_76, %sign3A : i32
      %sign3A_80 = arith.extui %sign3A_79 : i1 to i32
      %sign3A_81 = arith.constant 0 : i32
      %sign3A_82 = arith.cmpi slt, %scan3A_76, %sign3A_81 : i32
      %sign3A_83 = arith.extui %sign3A_82 : i1 to i32
      %sign3A_84 = arith.subi %sign3A_80, %sign3A_83 : i32
      %sign3A_85 = arith.constant 0 : i32
      %sign3A_86 = arith.cmpi sgt, %jit3A, %sign3A_85 : i32
      %sign3A_87 = arith.extui %sign3A_86 : i1 to i32
      %sign3A_88 = arith.constant 0 : i32
      %sign3A_89 = arith.cmpi slt, %jit3A, %sign3A_88 : i32
      %sign3A_90 = arith.extui %sign3A_89 : i1 to i32
      %sign3A_91 = arith.subi %sign3A_87, %sign3A_90 : i32
      %ne3A = arith.cmpi ne, %sign3A_84, %sign3A_91 : i32
      %rem3A = arith.remsi %scan3A_76, %jit3A : i32
      %ne3A_92 = arith.constant 0 : i32
      %ne3A_93 = arith.cmpi ne, %rem3A, %ne3A_92 : i32
      %and3A = arith.andi %ne3A, %ne3A_93 : i1
      %sub3A = arith.constant 1 : i32
      %sub3A_94 = arith.subi %div3A, %sub3A : i32
      %select_n3A = arith.select %and3A, %sub3A_94, %div3A : i32
      %jit3A_95 = arith.constant 8 : i32
      %eq3A = arith.constant 0 : i32
      %eq3A_96 = arith.cmpi eq, %jit3A_95, %eq3A : i32
      %jit3A_97 = arith.constant 1 : i32
      %select_n3A_98 = arith.select %eq3A_96, %jit3A_97, %jit3A_95 : i32
      %rem3A_99 = arith.remsi %scan3A_76, %select_n3A_98 : i32
      %ne3A_100 = arith.constant 0 : i32
      %ne3A_101 = arith.cmpi ne, %rem3A_99, %ne3A_100 : i32
      %lt3A = arith.constant 0 : i32
      %lt3A_102 = arith.cmpi slt, %rem3A_99, %lt3A : i32
      %lt3A_103 = arith.constant 0 : i32
      %lt3A_104 = arith.cmpi slt, %select_n3A_98, %lt3A_103 : i32
      %ne3A_105 = arith.xori %lt3A_102, %lt3A_104 : i1
      %and3A_106 = arith.andi %ne3A_105, %ne3A_101 : i1
      %add3A_107 = arith.addi %rem3A_99, %select_n3A_98 : i32
      %select_n3A_108 = arith.select %and3A_106, %add3A_107, %rem3A_99 : i32
      %mul3A_109 = arith.constant 16 : i32
      %mul3A_110 = arith.muli %select_n3A_108, %mul3A_109 : i32
      %swap3A = arith.index_cast %select_n3A : i32 to index
      %swap3A_111 = arith.index_cast %mul3A_110 : i32 to index
      %swap3A_112 = tpu.vector_load %arg6[%swap3A, %swap3A_111] {strides = array<i32>} : memref<8x128xf32, #tpu.memory_space<vmem>>, vector<1x16xf32>,
      %swap3A_113 = vector.shape_cast %swap3A_112 : vector<1x16xf32> to vector<16xf32>
      %swap3A_114 = vector.shape_cast %broadcast_in_dim3A_78 : vector<16xf32> to vector<1x16xf32>
      tpu.vector_store %arg6[%swap3A, %swap3A_111], %swap3A_114 {strides = array<i32>} : memref<8x128xf32, #tpu.memory_space<vmem>>, vector<1x16xf32>,
      %scan3A_115 = arith.constant 0 : i32
      scf.yield %scan3A_115 : i32
    }
    %scan3A_6 = arith.constant 64 : i32
    %scan3A_7 = arith.constant 0 : i32
    %scan3A_8 = arith.constant 0 : i32
    %scan3A_9 = arith.constant 640 : i32
    %scan3A_10 = arith.addi %scan3A_8, %scan3A_9 : i32
    %scan3A_11 = arith.constant 1 : i32
    %scan3A_12 = scf.for %scan3A_76 = %scan3A_8 to %scan3A_10 step %scan3A_11 iter_args(%scan3A_77 = %scan3A_7) -> (i32)  : i32 {
      %broadcast_in_dim3A = arith.constant 1.000000e+00 : f32
      %broadcast_in_dim3A_78 = vector.broadcast %broadcast_in_dim3A : f32 to vector<16xf32>
      %jit3A = arith.constant 8 : i32
      %div3A = arith.divsi %scan3A_76, %jit3A : i32
      %sign3A = arith.constant 0 : i32
      %sign3A_79 = arith.cmpi sgt, %scan3A_76, %sign3A : i32
      %sign3A_80 = arith.extui %sign3A_79 : i1 to i32
      %sign3A_81 = arith.constant 0 : i32
      %sign3A_82 = arith.cmpi slt, %scan3A_76, %sign3A_81 : i32
      %sign3A_83 = arith.extui %sign3A_82 : i1 to i32
      %sign3A_84 = arith.subi %sign3A_80, %sign3A_83 : i32
      %sign3A_85 = arith.constant 0 : i32
      %sign3A_86 = arith.cmpi sgt, %jit3A, %sign3A_85 : i32
      %sign3A_87 = arith.extui %sign3A_86 : i1 to i32
      %sign3A_88 = arith.constant 0 : i32
      %sign3A_89 = arith.cmpi slt, %jit3A, %sign3A_88 : i32
      %sign3A_90 = arith.extui %sign3A_89 : i1 to i32
      %sign3A_91 = arith.subi %sign3A_87, %sign3A_90 : i32
      %ne3A = arith.cmpi ne, %sign3A_84, %sign3A_91 : i32
      %rem3A = arith.remsi %scan3A_76, %jit3A : i32
      %ne3A_92 = arith.constant 0 : i32
      %ne3A_93 = arith.cmpi ne, %rem3A, %ne3A_92 : i32
      %and3A = arith.andi %ne3A, %ne3A_93 : i1
      %sub3A = arith.constant 1 : i32
      %sub3A_94 = arith.subi %div3A, %sub3A : i32
      %select_n3A = arith.select %and3A, %sub3A_94, %div3A : i32
      %jit3A_95 = arith.constant 8 : i32
      %eq3A = arith.constant 0 : i32
      %eq3A_96 = arith.cmpi eq, %jit3A_95, %eq3A : i32
      %jit3A_97 = arith.constant 1 : i32
      %select_n3A_98 = arith.select %eq3A_96, %jit3A_97, %jit3A_95 : i32
      %rem3A_99 = arith.remsi %scan3A_76, %select_n3A_98 : i32
      %ne3A_100 = arith.constant 0 : i32
      %ne3A_101 = arith.cmpi ne, %rem3A_99, %ne3A_100 : i32
      %lt3A = arith.constant 0 : i32
      %lt3A_102 = arith.cmpi slt, %rem3A_99, %lt3A : i32
      %lt3A_103 = arith.constant 0 : i32
      %lt3A_104 = arith.cmpi slt, %select_n3A_98, %lt3A_103 : i32
      %ne3A_105 = arith.xori %lt3A_102, %lt3A_104 : i1
      %and3A_106 = arith.andi %ne3A_105, %ne3A_101 : i1
      %add3A_107 = arith.addi %rem3A_99, %select_n3A_98 : i32
      %select_n3A_108 = arith.select %and3A_106, %add3A_107, %rem3A_99 : i32
      %mul3A_109 = arith.constant 16 : i32
      %mul3A_110 = arith.muli %select_n3A_108, %mul3A_109 : i32
      %swap3A = arith.index_cast %select_n3A : i32 to index
      %swap3A_111 = arith.index_cast %mul3A_110 : i32 to index
      %swap3A_112 = tpu.vector_load %arg5[%swap3A, %swap3A_111] {strides = array<i32>} : memref<80x128xf32, #tpu.memory_space<vmem>>, vector<1x16xf32>,
      %swap3A_113 = vector.shape_cast %swap3A_112 : vector<1x16xf32> to vector<16xf32>
      %swap3A_114 = vector.shape_cast %broadcast_in_dim3A_78 : vector<16xf32> to vector<1x16xf32>
      tpu.vector_store %arg5[%swap3A, %swap3A_111], %swap3A_114 {strides = array<i32>} : memref<80x128xf32, #tpu.memory_space<vmem>>, vector<1x16xf32>,
      %scan3A_115 = arith.constant 0 : i32
      scf.yield %scan3A_115 : i32
    }
    %scan3A_13 = arith.constant 640 : i32
    %scan3A_14 = arith.constant 0 : i32
    %scan3A_15 = arith.constant 0 : i32
    %scan3A_16 = arith.constant 80 : i32
    %scan3A_17 = arith.addi %scan3A_15, %scan3A_16 : i32
    %scan3A_18 = arith.constant 1 : i32
    %scan3A_19 = scf.for %scan3A_76 = %scan3A_15 to %scan3A_17 step %scan3A_18 iter_args(%scan3A_77 = %scan3A_14) -> (i32)  : i32 {
      %mul3A_78 = arith.constant 640 : i32
      %mul3A_79 = arith.muli %arg1, %mul3A_78 : i32
      %mul3A_80 = arith.constant 8 : i32
      %mul3A_81 = arith.muli %scan3A_76, %mul3A_80 : i32
      %add3A_82 = arith.addi %mul3A_79, %mul3A_81 : i32
      "tpu.region"() ({
        %run_scoped3A = tpu.sem_alloc : memref<!tpu.dma_semaphore, #tpu.memory_space<semaphore_mem>>
        %dma_start3A_84 = arith.constant 0 : i32
        %dma_start3A_85 = tpu.memref_slice %arg7[%add3A_82, %dma_start3A_84] : memref<10240x128xf32, #tpu.memory_space<vmem_shared>> -> memref<8x128xf32, #tpu.memory_space<vmem_shared>>
        %dma_start3A_86 = arith.constant 0 : i32
        %dma_start3A_87 = tpu.memref_slice %arg7[%add3A_82, %dma_start3A_86] : memref<10240x128xf32, #tpu.memory_space<vmem_shared>> -> memref<8x128xf32, #tpu.memory_space<vmem_shared>>
        tpu.enqueue_dma source(%arg6 : memref<8x128xf32, #tpu.memory_space<vmem>>) target(%dma_start3A_87 : memref<8x128xf32, #tpu.memory_space<vmem_shared>>) target_semaphore(%run_scoped3A : memref<!tpu.dma_semaphore, #tpu.memory_space<semaphore_mem>>)
        %dma_wait3A_88 = arith.constant 0 : i32
        %dma_wait3A_89 = tpu.memref_slice %arg7[%add3A_82, %dma_wait3A_88] : memref<10240x128xf32, #tpu.memory_space<vmem_shared>> -> memref<8x128xf32, #tpu.memory_space<vmem_shared>>
        %dma_wait3A_90 = arith.constant 0 : i32
        %dma_wait3A_91 = tpu.memref_slice %arg7[%add3A_82, %dma_wait3A_90] : memref<10240x128xf32, #tpu.memory_space<vmem_shared>> -> memref<8x128xf32, #tpu.memory_space<vmem_shared>>
        tpu.wait_dma2 semaphore(%run_scoped3A : memref<!tpu.dma_semaphore, #tpu.memory_space<semaphore_mem>>) src(%arg6 : memref<8x128xf32, #tpu.memory_space<vmem>>) dst(%dma_wait3A_91 : memref<8x128xf32, #tpu.memory_space<vmem_shared>>)
        tpu.yield
      }) : () -> ()
      %scan3A_83 = arith.constant 0 : i32
      scf.yield %scan3A_83 : i32
    }
    %scan3A_20 = arith.constant 80 : i32
    %barrier3A = arith.constant 0 : index
    tpu.barrier barrier_id(%barrier3A)
    "tpu.region"() ({
      %run_scoped3A = tpu.sem_alloc : memref<!tpu.dma_semaphore, #tpu.memory_space<semaphore_mem>>
      %dma_start3A_76 = arith.constant 0 : i32
      %dma_start3A_77 = arith.constant 0 : i32
      %dma_start3A_78 = tpu.memref_slice %arg2[%add3A, %dma_start3A_76, %dma_start3A_77] : memref<32x125x80xi32, #tpu.memory_space<hbm>> -> memref<1x125x80xi32, #tpu.memory_space<hbm>>
      %dma_start3A_79 = tpu.memref_squeeze %dma_start3A_78 : memref<1x125x80xi32, #tpu.memory_space<hbm>> -> memref<125x80xi32, #tpu.memory_space<hbm>>
      %dma_start3A_80 = arith.constant 0 : i32
      %dma_start3A_81 = arith.constant 0 : i32
      %dma_start3A_82 = tpu.memref_slice %arg2[%add3A, %dma_start3A_80, %dma_start3A_81] : memref<32x125x80xi32, #tpu.memory_space<hbm>> -> memref<1x125x80xi32, #tpu.memory_space<hbm>>
      %dma_start3A_83 = tpu.memref_squeeze %dma_start3A_82 : memref<1x125x80xi32, #tpu.memory_space<hbm>> -> memref<125x80xi32, #tpu.memory_space<hbm>>
      tpu.enqueue_dma source(%dma_start3A_83 : memref<125x80xi32, #tpu.memory_space<hbm>>) target(%arg4 : memref<125x80xi32, #tpu.memory_space<vmem>>) target_semaphore(%run_scoped3A : memref<!tpu.dma_semaphore, #tpu.memory_space<semaphore_mem>>)
      %dma_wait3A_84 = arith.constant 0 : i32
      %dma_wait3A_85 = arith.constant 0 : i32
      %dma_wait3A_86 = tpu.memref_slice %arg2[%add3A, %dma_wait3A_84, %dma_wait3A_85] : memref<32x125x80xi32, #tpu.memory_space<hbm>> -> memref<1x125x80xi32, #tpu.memory_space<hbm>>
      %dma_wait3A_87 = tpu.memref_squeeze %dma_wait3A_86 : memref<1x125x80xi32, #tpu.memory_space<hbm>> -> memref<125x80xi32, #tpu.memory_space<hbm>>
      %dma_wait3A_88 = arith.constant 0 : i32
      %dma_wait3A_89 = arith.constant 0 : i32
      %dma_wait3A_90 = tpu.memref_slice %arg2[%add3A, %dma_wait3A_88, %dma_wait3A_89] : memref<32x125x80xi32, #tpu.memory_space<hbm>> -> memref<1x125x80xi32, #tpu.memory_space<hbm>>
      %dma_wait3A_91 = tpu.memref_squeeze %dma_wait3A_90 : memref<1x125x80xi32, #tpu.memory_space<hbm>> -> memref<125x80xi32, #tpu.memory_space<hbm>>
      tpu.wait_dma2 semaphore(%run_scoped3A : memref<!tpu.dma_semaphore, #tpu.memory_space<semaphore_mem>>) src(%dma_wait3A_91 : memref<125x80xi32, #tpu.memory_space<hbm>>) dst(%arg4 : memref<125x80xi32, #tpu.memory_space<vmem>>)
      tpu.yield
    }) : () -> ()
    %dma_start3A = arith.constant 0 : i32
    %dma_start3A_21 = arith.constant 0 : i32
    %dma_start3A_22 = tpu.memref_slice %arg4[%dma_start3A, %dma_start3A_21] : memref<125x80xi32, #tpu.memory_space<vmem>> -> memref<1x80xi32, #tpu.memory_space<vmem>>
    %dma_start3A_23 = tpu.memref_squeeze %dma_start3A_22 : memref<1x80xi32, #tpu.memory_space<vmem>> -> memref<80xi32, #tpu.memory_space<vmem>>
    %dma_start3A_24 = arith.constant 0 : i32
    %dma_start3A_25 = arith.constant 0 : i32
    %dma_start3A_26 = tpu.memref_slice %arg7[%dma_start3A_24, %dma_start3A_25] : memref<10240x128xf32, #tpu.memory_space<vmem_shared>> -> memref<10240x128xf32, #tpu.memory_space<vmem_shared>>
    tpu.enqueue_indirect_dma source(%arg5 : memref<80x128xf32, #tpu.memory_space<vmem>>) target(%dma_start3A_26 : memref<10240x128xf32, #tpu.memory_space<vmem_shared>>) offsets(%dma_start3A_23 : memref<80xi32, #tpu.memory_space<vmem>>) semaphore(%arg8 : memref<!tpu.dma_semaphore, #tpu.memory_space<semaphore_mem>>) {add = true}
    %dma_start3A_27 = arith.constant 1 : i32
    %dma_start3A_28 = arith.constant 0 : i32
    %dma_start3A_29 = tpu.memref_slice %arg4[%dma_start3A_27, %dma_start3A_28] : memref<125x80xi32, #tpu.memory_space<vmem>> -> memref<1x80xi32, #tpu.memory_space<vmem>>
    %dma_start3A_30 = tpu.memref_squeeze %dma_start3A_29 : memref<1x80xi32, #tpu.memory_space<vmem>> -> memref<80xi32, #tpu.memory_space<vmem>>
    %dma_start3A_31 = arith.constant 0 : i32
    %dma_start3A_32 = arith.constant 0 : i32
    %dma_start3A_33 = tpu.memref_slice %arg7[%dma_start3A_31, %dma_start3A_32] : memref<10240x128xf32, #tpu.memory_space<vmem_shared>> -> memref<10240x128xf32, #tpu.memory_space<vmem_shared>>
    tpu.enqueue_indirect_dma source(%arg5 : memref<80x128xf32, #tpu.memory_space<vmem>>) target(%dma_start3A_33 : memref<10240x128xf32, #tpu.memory_space<vmem_shared>>) offsets(%dma_start3A_30 : memref<80xi32, #tpu.memory_space<vmem>>) semaphore(%arg9 : memref<!tpu.dma_semaphore, #tpu.memory_space<semaphore_mem>>) {add = true}
    %scan3A_34 = arith.constant 0 : i32
    %scan3A_35 = arith.constant 0 : i32
    %scan3A_36 = arith.constant 61 : i32
    %scan3A_37 = arith.addi %scan3A_35, %scan3A_36 : i32
    %scan3A_38 = arith.constant 1 : i32
    %scan3A_39 = scf.for %scan3A_76 = %scan3A_35 to %scan3A_37 step %scan3A_38 iter_args(%scan3A_77 = %scan3A_34) -> (i32)  : i32 {
      %mul3A_78 = arith.constant 2 : i32
      %mul3A_79 = arith.muli %mul3A_78, %scan3A_76 : i32
      %dma_wait3A_80 = arith.constant 0 : i32
      %dma_wait3A_81 = tpu.memref_slice %arg4[%mul3A_79, %dma_wait3A_80] : memref<125x80xi32, #tpu.memory_space<vmem>> -> memref<1x80xi32, #tpu.memory_space<vmem>>
      %dma_wait3A_82 = tpu.memref_squeeze %dma_wait3A_81 : memref<1x80xi32, #tpu.memory_space<vmem>> -> memref<80xi32, #tpu.memory_space<vmem>>
      %dma_wait3A_83 = arith.constant 0 : i32
      %dma_wait3A_84 = arith.constant 0 : i32
      %dma_wait3A_85 = tpu.memref_slice %arg7[%dma_wait3A_83, %dma_wait3A_84] : memref<10240x128xf32, #tpu.memory_space<vmem_shared>> -> memref<10240x128xf32, #tpu.memory_space<vmem_shared>>
      tpu.wait_indirect_dma semaphore(%arg8 : memref<!tpu.dma_semaphore, #tpu.memory_space<semaphore_mem>>) src(%arg5 : memref<80x128xf32, #tpu.memory_space<vmem>>) dst(%dma_wait3A_85 : memref<10240x128xf32, #tpu.memory_space<vmem_shared>>)
      %add3A_86 = arith.constant 2 : i32
      %add3A_87 = arith.addi %mul3A_79, %add3A_86 : i32
      %dma_start3A_88 = arith.constant 0 : i32
      %dma_start3A_89 = tpu.memref_slice %arg4[%add3A_87, %dma_start3A_88] : memref<125x80xi32, #tpu.memory_space<vmem>> -> memref<1x80xi32, #tpu.memory_space<vmem>>
      %dma_start3A_90 = tpu.memref_squeeze %dma_start3A_89 : memref<1x80xi32, #tpu.memory_space<vmem>> -> memref<80xi32, #tpu.memory_space<vmem>>
      %dma_start3A_91 = arith.constant 0 : i32
      %dma_start3A_92 = arith.constant 0 : i32
      %dma_start3A_93 = tpu.memref_slice %arg7[%dma_start3A_91, %dma_start3A_92] : memref<10240x128xf32, #tpu.memory_space<vmem_shared>> -> memref<10240x128xf32, #tpu.memory_space<vmem_shared>>
      tpu.enqueue_indirect_dma source(%arg5 : memref<80x128xf32, #tpu.memory_space<vmem>>) target(%dma_start3A_93 : memref<10240x128xf32, #tpu.memory_space<vmem_shared>>) offsets(%dma_start3A_90 : memref<80xi32, #tpu.memory_space<vmem>>) semaphore(%arg8 : memref<!tpu.dma_semaphore, #tpu.memory_space<semaphore_mem>>) {add = true}
      %add3A_94 = arith.constant 1 : i32
      %add3A_95 = arith.addi %mul3A_79, %add3A_94 : i32
      %dma_wait3A_96 = arith.constant 0 : i32
      %dma_wait3A_97 = tpu.memref_slice %arg4[%add3A_95, %dma_wait3A_96] : memref<125x80xi32, #tpu.memory_space<vmem>> -> memref<1x80xi32, #tpu.memory_space<vmem>>
      %dma_wait3A_98 = tpu.memref_squeeze %dma_wait3A_97 : memref<1x80xi32, #tpu.memory_space<vmem>> -> memref<80xi32, #tpu.memory_space<vmem>>
      %dma_wait3A_99 = arith.constant 0 : i32
      %dma_wait3A_100 = arith.constant 0 : i32
      %dma_wait3A_101 = tpu.memref_slice %arg7[%dma_wait3A_99, %dma_wait3A_100] : memref<10240x128xf32, #tpu.memory_space<vmem_shared>> -> memref<10240x128xf32, #tpu.memory_space<vmem_shared>>
      tpu.wait_indirect_dma semaphore(%arg9 : memref<!tpu.dma_semaphore, #tpu.memory_space<semaphore_mem>>) src(%arg5 : memref<80x128xf32, #tpu.memory_space<vmem>>) dst(%dma_wait3A_101 : memref<10240x128xf32, #tpu.memory_space<vmem_shared>>)
      %add3A_102 = arith.constant 3 : i32
      %add3A_103 = arith.addi %mul3A_79, %add3A_102 : i32
      %dma_start3A_104 = arith.constant 0 : i32
      %dma_start3A_105 = tpu.memref_slice %arg4[%add3A_103, %dma_start3A_104] : memref<125x80xi32, #tpu.memory_space<vmem>> -> memref<1x80xi32, #tpu.memory_space<vmem>>
      %dma_start3A_106 = tpu.memref_squeeze %dma_start3A_105 : memref<1x80xi32, #tpu.memory_space<vmem>> -> memref<80xi32, #tpu.memory_space<vmem>>
      %dma_start3A_107 = arith.constant 0 : i32
      %dma_start3A_108 = arith.constant 0 : i32
      %dma_start3A_109 = tpu.memref_slice %arg7[%dma_start3A_107, %dma_start3A_108] : memref<10240x128xf32, #tpu.memory_space<vmem_shared>> -> memref<10240x128xf32, #tpu.memory_space<vmem_shared>>
      tpu.enqueue_indirect_dma source(%arg5 : memref<80x128xf32, #tpu.memory_space<vmem>>) target(%dma_start3A_109 : memref<10240x128xf32, #tpu.memory_space<vmem_shared>>) offsets(%dma_start3A_106 : memref<80xi32, #tpu.memory_space<vmem>>) semaphore(%arg9 : memref<!tpu.dma_semaphore, #tpu.memory_space<semaphore_mem>>) {add = true}
      %scan3A_110 = arith.constant 0 : i32
      scf.yield %scan3A_110 : i32
    }
    %scan3A_40 = arith.constant 61 : i32
    %dma_wait3A = arith.constant 122 : i32
    %dma_wait3A_41 = arith.constant 0 : i32
    %dma_wait3A_42 = tpu.memref_slice %arg4[%dma_wait3A, %dma_wait3A_41] : memref<125x80xi32, #tpu.memory_space<vmem>> -> memref<1x80xi32, #tpu.memory_space<vmem>>
    %dma_wait3A_43 = tpu.memref_squeeze %dma_wait3A_42 : memref<1x80xi32, #tpu.memory_space<vmem>> -> memref<80xi32, #tpu.memory_space<vmem>>
    %dma_wait3A_44 = arith.constant 0 : i32
    %dma_wait3A_45 = arith.constant 0 : i32
    %dma_wait3A_46 = tpu.memref_slice %arg7[%dma_wait3A_44, %dma_wait3A_45] : memref<10240x128xf32, #tpu.memory_space<vmem_shared>> -> memref<10240x128xf32, #tpu.memory_space<vmem_shared>>
    tpu.wait_indirect_dma semaphore(%arg8 : memref<!tpu.dma_semaphore, #tpu.memory_space<semaphore_mem>>) src(%arg5 : memref<80x128xf32, #tpu.memory_space<vmem>>) dst(%dma_wait3A_46 : memref<10240x128xf32, #tpu.memory_space<vmem_shared>>)
    %dma_start3A_47 = arith.constant 124 : i32
    %dma_start3A_48 = arith.constant 0 : i32
    %dma_start3A_49 = tpu.memref_slice %arg4[%dma_start3A_47, %dma_start3A_48] : memref<125x80xi32, #tpu.memory_space<vmem>> -> memref<1x80xi32, #tpu.memory_space<vmem>>
    %dma_start3A_50 = tpu.memref_squeeze %dma_start3A_49 : memref<1x80xi32, #tpu.memory_space<vmem>> -> memref<80xi32, #tpu.memory_space<vmem>>
    %dma_start3A_51 = arith.constant 0 : i32
    %dma_start3A_52 = arith.constant 0 : i32
    %dma_start3A_53 = tpu.memref_slice %arg7[%dma_start3A_51, %dma_start3A_52] : memref<10240x128xf32, #tpu.memory_space<vmem_shared>> -> memref<10240x128xf32, #tpu.memory_space<vmem_shared>>
    tpu.enqueue_indirect_dma source(%arg5 : memref<80x128xf32, #tpu.memory_space<vmem>>) target(%dma_start3A_53 : memref<10240x128xf32, #tpu.memory_space<vmem_shared>>) offsets(%dma_start3A_50 : memref<80xi32, #tpu.memory_space<vmem>>) semaphore(%arg8 : memref<!tpu.dma_semaphore, #tpu.memory_space<semaphore_mem>>) {add = true}
    %dma_wait3A_54 = arith.constant 123 : i32
    %dma_wait3A_55 = arith.constant 0 : i32
    %dma_wait3A_56 = tpu.memref_slice %arg4[%dma_wait3A_54, %dma_wait3A_55] : memref<125x80xi32, #tpu.memory_space<vmem>> -> memref<1x80xi32, #tpu.memory_space<vmem>>
    %dma_wait3A_57 = tpu.memref_squeeze %dma_wait3A_56 : memref<1x80xi32, #tpu.memory_space<vmem>> -> memref<80xi32, #tpu.memory_space<vmem>>
    %dma_wait3A_58 = arith.constant 0 : i32
    %dma_wait3A_59 = arith.constant 0 : i32
    %dma_wait3A_60 = tpu.memref_slice %arg7[%dma_wait3A_58, %dma_wait3A_59] : memref<10240x128xf32, #tpu.memory_space<vmem_shared>> -> memref<10240x128xf32, #tpu.memory_space<vmem_shared>>
    tpu.wait_indirect_dma semaphore(%arg9 : memref<!tpu.dma_semaphore, #tpu.memory_space<semaphore_mem>>) src(%arg5 : memref<80x128xf32, #tpu.memory_space<vmem>>) dst(%dma_wait3A_60 : memref<10240x128xf32, #tpu.memory_space<vmem_shared>>)
    %dma_wait3A_61 = arith.constant 124 : i32
    %dma_wait3A_62 = arith.constant 0 : i32
    %dma_wait3A_63 = tpu.memref_slice %arg4[%dma_wait3A_61, %dma_wait3A_62] : memref<125x80xi32, #tpu.memory_space<vmem>> -> memref<1x80xi32, #tpu.memory_space<vmem>>
    %dma_wait3A_64 = tpu.memref_squeeze %dma_wait3A_63 : memref<1x80xi32, #tpu.memory_space<vmem>> -> memref<80xi32, #tpu.memory_space<vmem>>
    %dma_wait3A_65 = arith.constant 0 : i32
    %dma_wait3A_66 = arith.constant 0 : i32
    %dma_wait3A_67 = tpu.memref_slice %arg7[%dma_wait3A_65, %dma_wait3A_66] : memref<10240x128xf32, #tpu.memory_space<vmem_shared>> -> memref<10240x128xf32, #tpu.memory_space<vmem_shared>>
    tpu.wait_indirect_dma semaphore(%arg8 : memref<!tpu.dma_semaphore, #tpu.memory_space<semaphore_mem>>) src(%arg5 : memref<80x128xf32, #tpu.memory_space<vmem>>) dst(%dma_wait3A_67 : memref<10240x128xf32, #tpu.memory_space<vmem_shared>>)
    %barrier3A_68 = arith.constant 0 : index
    tpu.barrier barrier_id(%barrier3A_68)
    %scan3A_69 = arith.constant 0 : i32
    %scan3A_70 = arith.constant 0 : i32
    %scan3A_71 = arith.constant 80 : i32
    %scan3A_72 = arith.addi %scan3A_70, %scan3A_71 : i32
    %scan3A_73 = arith.constant 1 : i32
    %scan3A_74 = scf.for %scan3A_76 = %scan3A_70 to %scan3A_72 step %scan3A_73 iter_args(%scan3A_77 = %scan3A_69) -> (i32)  : i32 {
      %mul3A_78 = arith.constant 640 : i32
      %mul3A_79 = arith.muli %arg1, %mul3A_78 : i32
      %mul3A_80 = arith.constant 8 : i32
      %mul3A_81 = arith.muli %scan3A_76, %mul3A_80 : i32
      %add3A_82 = arith.addi %mul3A_79, %mul3A_81 : i32
      "tpu.region"() ({
        %run_scoped3A = tpu.sem_alloc : memref<!tpu.dma_semaphore, #tpu.memory_space<semaphore_mem>>
        %dma_start3A_89 = arith.constant 0 : i32
        %dma_start3A_90 = tpu.memref_slice %arg7[%add3A_82, %dma_start3A_89] : memref<10240x128xf32, #tpu.memory_space<vmem_shared>> -> memref<8x128xf32, #tpu.memory_space<vmem_shared>>
        %dma_start3A_91 = arith.constant 0 : i32
        %dma_start3A_92 = tpu.memref_slice %arg7[%add3A_82, %dma_start3A_91] : memref<10240x128xf32, #tpu.memory_space<vmem_shared>> -> memref<8x128xf32, #tpu.memory_space<vmem_shared>>
        tpu.enqueue_dma source(%dma_start3A_92 : memref<8x128xf32, #tpu.memory_space<vmem_shared>>) target(%arg6 : memref<8x128xf32, #tpu.memory_space<vmem>>) target_semaphore(%run_scoped3A : memref<!tpu.dma_semaphore, #tpu.memory_space<semaphore_mem>>)
        %dma_wait3A_93 = arith.constant 0 : i32
        %dma_wait3A_94 = tpu.memref_slice %arg7[%add3A_82, %dma_wait3A_93] : memref<10240x128xf32, #tpu.memory_space<vmem_shared>> -> memref<8x128xf32, #tpu.memory_space<vmem_shared>>
        %dma_wait3A_95 = arith.constant 0 : i32
        %dma_wait3A_96 = tpu.memref_slice %arg7[%add3A_82, %dma_wait3A_95] : memref<10240x128xf32, #tpu.memory_space<vmem_shared>> -> memref<8x128xf32, #tpu.memory_space<vmem_shared>>
        tpu.wait_dma2 semaphore(%run_scoped3A : memref<!tpu.dma_semaphore, #tpu.memory_space<semaphore_mem>>) src(%dma_wait3A_96 : memref<8x128xf32, #tpu.memory_space<vmem_shared>>) dst(%arg6 : memref<8x128xf32, #tpu.memory_space<vmem>>)
        tpu.yield
      }) : () -> ()
      %mul3A_83 = arith.constant 640 : i32
      %mul3A_84 = arith.muli %arg1, %mul3A_83 : i32
      %mul3A_85 = arith.constant 8 : i32
      %mul3A_86 = arith.muli %scan3A_76, %mul3A_85 : i32
      %add3A_87 = arith.addi %mul3A_84, %mul3A_86 : i32
      "tpu.region"() ({
        %run_scoped3A = tpu.sem_alloc : memref<!tpu.dma_semaphore, #tpu.memory_space<semaphore_mem>>
        %dma_start3A_89 = arith.constant 0 : i32
        %dma_start3A_90 = tpu.memref_slice %arg3[%arg0, %add3A_87, %dma_start3A_89] : memref<2x10240x128xf32, #tpu.memory_space<hbm>> -> memref<1x8x128xf32, #tpu.memory_space<hbm>>
        %dma_start3A_91 = tpu.memref_squeeze %dma_start3A_90 : memref<1x8x128xf32, #tpu.memory_space<hbm>> -> memref<8x128xf32, #tpu.memory_space<hbm>>
        %dma_start3A_92 = arith.constant 0 : i32
        %dma_start3A_93 = tpu.memref_slice %arg3[%arg0, %add3A_87, %dma_start3A_92] : memref<2x10240x128xf32, #tpu.memory_space<hbm>> -> memref<1x8x128xf32, #tpu.memory_space<hbm>>
        %dma_start3A_94 = tpu.memref_squeeze %dma_start3A_93 : memref<1x8x128xf32, #tpu.memory_space<hbm>> -> memref<8x128xf32, #tpu.memory_space<hbm>>
        tpu.enqueue_dma source(%arg6 : memref<8x128xf32, #tpu.memory_space<vmem>>) target(%dma_start3A_94 : memref<8x128xf32, #tpu.memory_space<hbm>>) target_semaphore(%run_scoped3A : memref<!tpu.dma_semaphore, #tpu.memory_space<semaphore_mem>>)
        %dma_wait3A_95 = arith.constant 0 : i32
        %dma_wait3A_96 = tpu.memref_slice %arg3[%arg0, %add3A_87, %dma_wait3A_95] : memref<2x10240x128xf32, #tpu.memory_space<hbm>> -> memref<1x8x128xf32, #tpu.memory_space<hbm>>
        %dma_wait3A_97 = tpu.memref_squeeze %dma_wait3A_96 : memref<1x8x128xf32, #tpu.memory_space<hbm>> -> memref<8x128xf32, #tpu.memory_space<hbm>>
        %dma_wait3A_98 = arith.constant 0 : i32
        %dma_wait3A_99 = tpu.memref_slice %arg3[%arg0, %add3A_87, %dma_wait3A_98] : memref<2x10240x128xf32, #tpu.memory_space<hbm>> -> memref<1x8x128xf32, #tpu.memory_space<hbm>>
        %dma_wait3A_100 = tpu.memref_squeeze %dma_wait3A_99 : memref<1x8x128xf32, #tpu.memory_space<hbm>> -> memref<8x128xf32, #tpu.memory_space<hbm>>
        tpu.wait_dma2 semaphore(%run_scoped3A : memref<!tpu.dma_semaphore, #tpu.memory_space<semaphore_mem>>) src(%arg6 : memref<8x128xf32, #tpu.memory_space<vmem>>) dst(%dma_wait3A_100 : memref<8x128xf32, #tpu.memory_space<hbm>>)
        tpu.yield
      }) : () -> ()
      %scan3A_88 = arith.constant 0 : i32
      scf.yield %scan3A_88 : i32
    }
    %scan3A_75 = arith.constant 80 : i32
    return
  }
}

#map = affine_map<(d0, d1) -> (0, 0, 0)>
#map1 = affine_map<(d0, d1) -> (0, 0, 0, 0)>
#map2 = affine_map<(d0, d1) -> (0, 0)>
module attributes {stable_mosaic.version = 14 : i64} {
  func.func @_scat_kernel(%arg0: i32, %arg1: i32, %arg2: memref<32x125x80xi32, #tpu.memory_space<hbm>>, %arg3: memref<32x125x1x80xi32, #tpu.memory_space<hbm>>, %arg4: memref<10000x128xf32, #tpu.memory_space<hbm>>, %arg5: memref<2x10240x128xf32, #tpu.memory_space<hbm>>, %arg6: memref<125x80xi32, #tpu.memory_space<vmem>>, %arg7: memref<2x1x80xi32, #tpu.memory_space<vmem>>, %arg8: memref<2x80x128xf32, #tpu.memory_space<vmem>>, %arg9: memref<8x128xf32, #tpu.memory_space<vmem>>, %arg10: memref<10240x128xf32, #tpu.memory_space<vmem_shared>>, %arg11: memref<!tpu.dma_semaphore, #tpu.memory_space<semaphore_mem>>, %arg12: memref<!tpu.dma_semaphore, #tpu.memory_space<semaphore_mem>>, %arg13: memref<!tpu.dma_semaphore, #tpu.memory_space<semaphore_mem>>, %arg14: memref<!tpu.dma_semaphore, #tpu.memory_space<semaphore_mem>>) attributes {dimension_semantics = [#tpu.dimension_semantics<core_parallel>, #tpu.dimension_semantics<subcore_parallel>], iteration_bounds = array<i64: 2, 16>, scalar_prefetch = 0 : i64, scratch_operands = 9 : i64, tpu.core_type = #tpu.core_type<sc_vector_subcore>, window_params = [{transform_indices = #map}, {transform_indices = #map1}, {transform_indices = #map2}, {transform_indices = #map}]} {
    %mul3A = arith.constant 2 : i32
    %mul3A_0 = arith.muli %arg1, %mul3A : i32
    %add3A = arith.addi %mul3A_0, %arg0 : i32
    %scan3A = arith.constant 0 : i32
    %scan3A_1 = arith.constant 0 : i32
    %scan3A_2 = arith.constant 64 : i32
    %scan3A_3 = arith.addi %scan3A_1, %scan3A_2 : i32
    %scan3A_4 = arith.constant 1 : i32
    %scan3A_5 = scf.for %scan3A_215 = %scan3A_1 to %scan3A_3 step %scan3A_4 iter_args(%scan3A_216 = %scan3A) -> (i32)  : i32 {
      %broadcast_in_dim3A = arith.constant 0.000000e+00 : f32
      %broadcast_in_dim3A_217 = vector.broadcast %broadcast_in_dim3A : f32 to vector<16xf32>
      %jit3A = arith.constant 8 : i32
      %div3A = arith.divsi %scan3A_215, %jit3A : i32
      %sign3A = arith.constant 0 : i32
      %sign3A_218 = arith.cmpi sgt, %scan3A_215, %sign3A : i32
      %sign3A_219 = arith.extui %sign3A_218 : i1 to i32
      %sign3A_220 = arith.constant 0 : i32
      %sign3A_221 = arith.cmpi slt, %scan3A_215, %sign3A_220 : i32
      %sign3A_222 = arith.extui %sign3A_221 : i1 to i32
      %sign3A_223 = arith.subi %sign3A_219, %sign3A_222 : i32
      %sign3A_224 = arith.constant 0 : i32
      %sign3A_225 = arith.cmpi sgt, %jit3A, %sign3A_224 : i32
      %sign3A_226 = arith.extui %sign3A_225 : i1 to i32
      %sign3A_227 = arith.constant 0 : i32
      %sign3A_228 = arith.cmpi slt, %jit3A, %sign3A_227 : i32
      %sign3A_229 = arith.extui %sign3A_228 : i1 to i32
      %sign3A_230 = arith.subi %sign3A_226, %sign3A_229 : i32
      %ne3A = arith.cmpi ne, %sign3A_223, %sign3A_230 : i32
      %rem3A = arith.remsi %scan3A_215, %jit3A : i32
      %ne3A_231 = arith.constant 0 : i32
      %ne3A_232 = arith.cmpi ne, %rem3A, %ne3A_231 : i32
      %and3A = arith.andi %ne3A, %ne3A_232 : i1
      %sub3A = arith.constant 1 : i32
      %sub3A_233 = arith.subi %div3A, %sub3A : i32
      %select_n3A = arith.select %and3A, %sub3A_233, %div3A : i32
      %jit3A_234 = arith.constant 8 : i32
      %eq3A = arith.constant 0 : i32
      %eq3A_235 = arith.cmpi eq, %jit3A_234, %eq3A : i32
      %jit3A_236 = arith.constant 1 : i32
      %select_n3A_237 = arith.select %eq3A_235, %jit3A_236, %jit3A_234 : i32
      %rem3A_238 = arith.remsi %scan3A_215, %select_n3A_237 : i32
      %ne3A_239 = arith.constant 0 : i32
      %ne3A_240 = arith.cmpi ne, %rem3A_238, %ne3A_239 : i32
      %lt3A = arith.constant 0 : i32
      %lt3A_241 = arith.cmpi slt, %rem3A_238, %lt3A : i32
      %lt3A_242 = arith.constant 0 : i32
      %lt3A_243 = arith.cmpi slt, %select_n3A_237, %lt3A_242 : i32
      %ne3A_244 = arith.xori %lt3A_241, %lt3A_243 : i1
      %and3A_245 = arith.andi %ne3A_244, %ne3A_240 : i1
      %add3A_246 = arith.addi %rem3A_238, %select_n3A_237 : i32
      %select_n3A_247 = arith.select %and3A_245, %add3A_246, %rem3A_238 : i32
      %mul3A_248 = arith.constant 16 : i32
      %mul3A_249 = arith.muli %select_n3A_247, %mul3A_248 : i32
      %swap3A = arith.index_cast %select_n3A : i32 to index
      %swap3A_250 = arith.index_cast %mul3A_249 : i32 to index
      %swap3A_251 = tpu.vector_load %arg9[%swap3A, %swap3A_250] {strides = array<i32>} : memref<8x128xf32, #tpu.memory_space<vmem>>, vector<1x16xf32>,
      %swap3A_252 = vector.shape_cast %swap3A_251 : vector<1x16xf32> to vector<16xf32>
      %swap3A_253 = vector.shape_cast %broadcast_in_dim3A_217 : vector<16xf32> to vector<1x16xf32>
      tpu.vector_store %arg9[%swap3A, %swap3A_250], %swap3A_253 {strides = array<i32>} : memref<8x128xf32, #tpu.memory_space<vmem>>, vector<1x16xf32>,
      %scan3A_254 = arith.constant 0 : i32
      scf.yield %scan3A_254 : i32
    }
    %scan3A_6 = arith.constant 64 : i32
    %scan3A_7 = arith.constant 0 : i32
    %scan3A_8 = arith.constant 0 : i32
    %scan3A_9 = arith.constant 80 : i32
    %scan3A_10 = arith.addi %scan3A_8, %scan3A_9 : i32
    %scan3A_11 = arith.constant 1 : i32
    %scan3A_12 = scf.for %scan3A_215 = %scan3A_8 to %scan3A_10 step %scan3A_11 iter_args(%scan3A_216 = %scan3A_7) -> (i32)  : i32 {
      %mul3A_217 = arith.constant 640 : i32
      %mul3A_218 = arith.muli %arg1, %mul3A_217 : i32
      %mul3A_219 = arith.constant 8 : i32
      %mul3A_220 = arith.muli %scan3A_215, %mul3A_219 : i32
      %add3A_221 = arith.addi %mul3A_218, %mul3A_220 : i32
      "tpu.region"() ({
        %run_scoped3A_223 = tpu.sem_alloc : memref<!tpu.dma_semaphore, #tpu.memory_space<semaphore_mem>>
        %dma_start3A_224 = arith.constant 0 : i32
        %dma_start3A_225 = tpu.memref_slice %arg10[%add3A_221, %dma_start3A_224] : memref<10240x128xf32, #tpu.memory_space<vmem_shared>> -> memref<8x128xf32, #tpu.memory_space<vmem_shared>>
        %dma_start3A_226 = arith.constant 0 : i32
        %dma_start3A_227 = tpu.memref_slice %arg10[%add3A_221, %dma_start3A_226] : memref<10240x128xf32, #tpu.memory_space<vmem_shared>> -> memref<8x128xf32, #tpu.memory_space<vmem_shared>>
        tpu.enqueue_dma source(%arg9 : memref<8x128xf32, #tpu.memory_space<vmem>>) target(%dma_start3A_227 : memref<8x128xf32, #tpu.memory_space<vmem_shared>>) target_semaphore(%run_scoped3A_223 : memref<!tpu.dma_semaphore, #tpu.memory_space<semaphore_mem>>)
        %dma_wait3A_228 = arith.constant 0 : i32
        %dma_wait3A_229 = tpu.memref_slice %arg10[%add3A_221, %dma_wait3A_228] : memref<10240x128xf32, #tpu.memory_space<vmem_shared>> -> memref<8x128xf32, #tpu.memory_space<vmem_shared>>
        %dma_wait3A_230 = arith.constant 0 : i32
        %dma_wait3A_231 = tpu.memref_slice %arg10[%add3A_221, %dma_wait3A_230] : memref<10240x128xf32, #tpu.memory_space<vmem_shared>> -> memref<8x128xf32, #tpu.memory_space<vmem_shared>>
        tpu.wait_dma2 semaphore(%run_scoped3A_223 : memref<!tpu.dma_semaphore, #tpu.memory_space<semaphore_mem>>) src(%arg9 : memref<8x128xf32, #tpu.memory_space<vmem>>) dst(%dma_wait3A_231 : memref<8x128xf32, #tpu.memory_space<vmem_shared>>)
        tpu.yield
      }) : () -> ()
      %scan3A_222 = arith.constant 0 : i32
      scf.yield %scan3A_222 : i32
    }
    %scan3A_13 = arith.constant 80 : i32
    %barrier3A = arith.constant 0 : index
    tpu.barrier barrier_id(%barrier3A)
    "tpu.region"() ({
      %run_scoped3A_215 = tpu.sem_alloc : memref<!tpu.dma_semaphore, #tpu.memory_space<semaphore_mem>>
      %dma_start3A_216 = arith.constant 0 : i32
      %dma_start3A_217 = arith.constant 0 : i32
      %dma_start3A_218 = tpu.memref_slice %arg2[%add3A, %dma_start3A_216, %dma_start3A_217] : memref<32x125x80xi32, #tpu.memory_space<hbm>> -> memref<1x125x80xi32, #tpu.memory_space<hbm>>
      %dma_start3A_219 = tpu.memref_squeeze %dma_start3A_218 : memref<1x125x80xi32, #tpu.memory_space<hbm>> -> memref<125x80xi32, #tpu.memory_space<hbm>>
      %dma_start3A_220 = arith.constant 0 : i32
      %dma_start3A_221 = arith.constant 0 : i32
      %dma_start3A_222 = tpu.memref_slice %arg2[%add3A, %dma_start3A_220, %dma_start3A_221] : memref<32x125x80xi32, #tpu.memory_space<hbm>> -> memref<1x125x80xi32, #tpu.memory_space<hbm>>
      %dma_start3A_223 = tpu.memref_squeeze %dma_start3A_222 : memref<1x125x80xi32, #tpu.memory_space<hbm>> -> memref<125x80xi32, #tpu.memory_space<hbm>>
      tpu.enqueue_dma source(%dma_start3A_223 : memref<125x80xi32, #tpu.memory_space<hbm>>) target(%arg6 : memref<125x80xi32, #tpu.memory_space<vmem>>) target_semaphore(%run_scoped3A_215 : memref<!tpu.dma_semaphore, #tpu.memory_space<semaphore_mem>>)
      %dma_wait3A_224 = arith.constant 0 : i32
      %dma_wait3A_225 = arith.constant 0 : i32
      %dma_wait3A_226 = tpu.memref_slice %arg2[%add3A, %dma_wait3A_224, %dma_wait3A_225] : memref<32x125x80xi32, #tpu.memory_space<hbm>> -> memref<1x125x80xi32, #tpu.memory_space<hbm>>
      %dma_wait3A_227 = tpu.memref_squeeze %dma_wait3A_226 : memref<1x125x80xi32, #tpu.memory_space<hbm>> -> memref<125x80xi32, #tpu.memory_space<hbm>>
      %dma_wait3A_228 = arith.constant 0 : i32
      %dma_wait3A_229 = arith.constant 0 : i32
      %dma_wait3A_230 = tpu.memref_slice %arg2[%add3A, %dma_wait3A_228, %dma_wait3A_229] : memref<32x125x80xi32, #tpu.memory_space<hbm>> -> memref<1x125x80xi32, #tpu.memory_space<hbm>>
      %dma_wait3A_231 = tpu.memref_squeeze %dma_wait3A_230 : memref<1x125x80xi32, #tpu.memory_space<hbm>> -> memref<125x80xi32, #tpu.memory_space<hbm>>
      tpu.wait_dma2 semaphore(%run_scoped3A_215 : memref<!tpu.dma_semaphore, #tpu.memory_space<semaphore_mem>>) src(%dma_wait3A_231 : memref<125x80xi32, #tpu.memory_space<hbm>>) dst(%arg6 : memref<125x80xi32, #tpu.memory_space<vmem>>)
      tpu.yield
    }) : () -> ()
    %dma_start3A = arith.constant 0 : i32
    %dma_start3A_14 = arith.constant 0 : i32
    %dma_start3A_15 = arith.constant 0 : i32
    %dma_start3A_16 = arith.constant 0 : i32
    %dma_start3A_17 = tpu.memref_slice %arg7[%dma_start3A_14, %dma_start3A_15, %dma_start3A_16] : memref<2x1x80xi32, #tpu.memory_space<vmem>> -> memref<1x1x80xi32, #tpu.memory_space<vmem>>
    %dma_start3A_18 = tpu.memref_squeeze %dma_start3A_17 : memref<1x1x80xi32, #tpu.memory_space<vmem>> -> memref<1x80xi32, #tpu.memory_space<vmem>>
    %dma_start3A_19 = arith.constant 0 : i32
    %dma_start3A_20 = arith.constant 0 : i32
    %dma_start3A_21 = tpu.memref_slice %arg3[%add3A, %dma_start3A, %dma_start3A_19, %dma_start3A_20] : memref<32x125x1x80xi32, #tpu.memory_space<hbm>> -> memref<1x1x1x80xi32, #tpu.memory_space<hbm>>
    %dma_start3A_22 = tpu.memref_squeeze %dma_start3A_21 : memref<1x1x1x80xi32, #tpu.memory_space<hbm>> -> memref<1x80xi32, #tpu.memory_space<hbm>>
    %dma_start3A_23 = arith.constant 0 : i32
    %dma_start3A_24 = arith.constant 0 : i32
    %dma_start3A_25 = tpu.memref_slice %arg7[%dma_start3A_14, %dma_start3A_23, %dma_start3A_24] : memref<2x1x80xi32, #tpu.memory_space<vmem>> -> memref<1x1x80xi32, #tpu.memory_space<vmem>>
    %dma_start3A_26 = tpu.memref_squeeze %dma_start3A_25 : memref<1x1x80xi32, #tpu.memory_space<vmem>> -> memref<1x80xi32, #tpu.memory_space<vmem>>
    %dma_start3A_27 = arith.constant 0 : i32
    %dma_start3A_28 = arith.constant 0 : i32
    %dma_start3A_29 = tpu.memref_slice %arg3[%add3A, %dma_start3A, %dma_start3A_27, %dma_start3A_28] : memref<32x125x1x80xi32, #tpu.memory_space<hbm>> -> memref<1x1x1x80xi32, #tpu.memory_space<hbm>>
    %dma_start3A_30 = tpu.memref_squeeze %dma_start3A_29 : memref<1x1x1x80xi32, #tpu.memory_space<hbm>> -> memref<1x80xi32, #tpu.memory_space<hbm>>
    tpu.enqueue_dma source(%dma_start3A_30 : memref<1x80xi32, #tpu.memory_space<hbm>>) target(%dma_start3A_26 : memref<1x80xi32, #tpu.memory_space<vmem>>) target_semaphore(%arg13 : memref<!tpu.dma_semaphore, #tpu.memory_space<semaphore_mem>>)
    %dma_start3A_31 = arith.constant 1 : i32
    %dma_start3A_32 = arith.constant 1 : i32
    %dma_start3A_33 = arith.constant 0 : i32
    %dma_start3A_34 = arith.constant 0 : i32
    %dma_start3A_35 = tpu.memref_slice %arg7[%dma_start3A_32, %dma_start3A_33, %dma_start3A_34] : memref<2x1x80xi32, #tpu.memory_space<vmem>> -> memref<1x1x80xi32, #tpu.memory_space<vmem>>
    %dma_start3A_36 = tpu.memref_squeeze %dma_start3A_35 : memref<1x1x80xi32, #tpu.memory_space<vmem>> -> memref<1x80xi32, #tpu.memory_space<vmem>>
    %dma_start3A_37 = arith.constant 0 : i32
    %dma_start3A_38 = arith.constant 0 : i32
    %dma_start3A_39 = tpu.memref_slice %arg3[%add3A, %dma_start3A_31, %dma_start3A_37, %dma_start3A_38] : memref<32x125x1x80xi32, #tpu.memory_space<hbm>> -> memref<1x1x1x80xi32, #tpu.memory_space<hbm>>
    %dma_start3A_40 = tpu.memref_squeeze %dma_start3A_39 : memref<1x1x1x80xi32, #tpu.memory_space<hbm>> -> memref<1x80xi32, #tpu.memory_space<hbm>>
    %dma_start3A_41 = arith.constant 0 : i32
    %dma_start3A_42 = arith.constant 0 : i32
    %dma_start3A_43 = tpu.memref_slice %arg7[%dma_start3A_32, %dma_start3A_41, %dma_start3A_42] : memref<2x1x80xi32, #tpu.memory_space<vmem>> -> memref<1x1x80xi32, #tpu.memory_space<vmem>>
    %dma_start3A_44 = tpu.memref_squeeze %dma_start3A_43 : memref<1x1x80xi32, #tpu.memory_space<vmem>> -> memref<1x80xi32, #tpu.memory_space<vmem>>
    %dma_start3A_45 = arith.constant 0 : i32
    %dma_start3A_46 = arith.constant 0 : i32
    %dma_start3A_47 = tpu.memref_slice %arg3[%add3A, %dma_start3A_31, %dma_start3A_45, %dma_start3A_46] : memref<32x125x1x80xi32, #tpu.memory_space<hbm>> -> memref<1x1x1x80xi32, #tpu.memory_space<hbm>>
    %dma_start3A_48 = tpu.memref_squeeze %dma_start3A_47 : memref<1x1x1x80xi32, #tpu.memory_space<hbm>> -> memref<1x80xi32, #tpu.memory_space<hbm>>
    tpu.enqueue_dma source(%dma_start3A_48 : memref<1x80xi32, #tpu.memory_space<hbm>>) target(%dma_start3A_44 : memref<1x80xi32, #tpu.memory_space<vmem>>) target_semaphore(%arg14 : memref<!tpu.dma_semaphore, #tpu.memory_space<semaphore_mem>>)
    %dma_start3A_49 = arith.constant 0 : i32
    %dma_start3A_50 = arith.constant 0 : i32
    %dma_start3A_51 = arith.constant 0 : i32
    %dma_start3A_52 = arith.constant 0 : i32
    %dma_start3A_53 = tpu.memref_slice %arg8[%dma_start3A_50, %dma_start3A_51, %dma_start3A_52] : memref<2x80x128xf32, #tpu.memory_space<vmem>> -> memref<1x80x128xf32, #tpu.memory_space<vmem>>
    %dma_start3A_54 = tpu.memref_squeeze %dma_start3A_53 : memref<1x80x128xf32, #tpu.memory_space<vmem>> -> memref<80x128xf32, #tpu.memory_space<vmem>>
    %dma_start3A_55 = arith.constant 0 : i32
    %dma_start3A_56 = tpu.memref_slice %arg6[%dma_start3A_49, %dma_start3A_55] : memref<125x80xi32, #tpu.memory_space<vmem>> -> memref<1x80xi32, #tpu.memory_space<vmem>>
    %dma_start3A_57 = tpu.memref_squeeze %dma_start3A_56 : memref<1x80xi32, #tpu.memory_space<vmem>> -> memref<80xi32, #tpu.memory_space<vmem>>
    %dma_start3A_58 = arith.constant 0 : i32
    %dma_start3A_59 = arith.constant 0 : i32
    %dma_start3A_60 = tpu.memref_slice %arg4[%dma_start3A_58, %dma_start3A_59] : memref<10000x128xf32, #tpu.memory_space<hbm>> -> memref<10000x128xf32, #tpu.memory_space<hbm>>
    tpu.enqueue_indirect_dma source(%dma_start3A_60 : memref<10000x128xf32, #tpu.memory_space<hbm>>) target(%dma_start3A_54 : memref<80x128xf32, #tpu.memory_space<vmem>>) offsets(%dma_start3A_57 : memref<80xi32, #tpu.memory_space<vmem>>) semaphore(%arg11 : memref<!tpu.dma_semaphore, #tpu.memory_space<semaphore_mem>>)
    %dma_start3A_61 = arith.constant 1 : i32
    %dma_start3A_62 = arith.constant 1 : i32
    %dma_start3A_63 = arith.constant 0 : i32
    %dma_start3A_64 = arith.constant 0 : i32
    %dma_start3A_65 = tpu.memref_slice %arg8[%dma_start3A_62, %dma_start3A_63, %dma_start3A_64] : memref<2x80x128xf32, #tpu.memory_space<vmem>> -> memref<1x80x128xf32, #tpu.memory_space<vmem>>
    %dma_start3A_66 = tpu.memref_squeeze %dma_start3A_65 : memref<1x80x128xf32, #tpu.memory_space<vmem>> -> memref<80x128xf32, #tpu.memory_space<vmem>>
    %dma_start3A_67 = arith.constant 0 : i32
    %dma_start3A_68 = tpu.memref_slice %arg6[%dma_start3A_61, %dma_start3A_67] : memref<125x80xi32, #tpu.memory_space<vmem>> -> memref<1x80xi32, #tpu.memory_space<vmem>>
    %dma_start3A_69 = tpu.memref_squeeze %dma_start3A_68 : memref<1x80xi32, #tpu.memory_space<vmem>> -> memref<80xi32, #tpu.memory_space<vmem>>
    %dma_start3A_70 = arith.constant 0 : i32
    %dma_start3A_71 = arith.constant 0 : i32
    %dma_start3A_72 = tpu.memref_slice %arg4[%dma_start3A_70, %dma_start3A_71] : memref<10000x128xf32, #tpu.memory_space<hbm>> -> memref<10000x128xf32, #tpu.memory_space<hbm>>
    tpu.enqueue_indirect_dma source(%dma_start3A_72 : memref<10000x128xf32, #tpu.memory_space<hbm>>) target(%dma_start3A_66 : memref<80x128xf32, #tpu.memory_space<vmem>>) offsets(%dma_start3A_69 : memref<80xi32, #tpu.memory_space<vmem>>) semaphore(%arg12 : memref<!tpu.dma_semaphore, #tpu.memory_space<semaphore_mem>>)
    %scan3A_73 = arith.constant 0 : i32
    %scan3A_74 = arith.constant 0 : i32
    %scan3A_75 = arith.constant 61 : i32
    %scan3A_76 = arith.addi %scan3A_74, %scan3A_75 : i32
    %scan3A_77 = arith.constant 1 : i32
    %scan3A_78 = scf.for %scan3A_215 = %scan3A_74 to %scan3A_76 step %scan3A_77 iter_args(%scan3A_216 = %scan3A_73) -> (i32)  : i32 {
      %mul3A_217 = arith.constant 2 : i32
      %mul3A_218 = arith.muli %mul3A_217, %scan3A_215 : i32
      %dma_wait3A_219 = arith.constant 0 : i32
      %dma_wait3A_220 = arith.constant 0 : i32
      %dma_wait3A_221 = arith.constant 0 : i32
      %dma_wait3A_222 = tpu.memref_slice %arg8[%dma_wait3A_219, %dma_wait3A_220, %dma_wait3A_221] : memref<2x80x128xf32, #tpu.memory_space<vmem>> -> memref<1x80x128xf32, #tpu.memory_space<vmem>>
      %dma_wait3A_223 = tpu.memref_squeeze %dma_wait3A_222 : memref<1x80x128xf32, #tpu.memory_space<vmem>> -> memref<80x128xf32, #tpu.memory_space<vmem>>
      %dma_wait3A_224 = arith.constant 0 : i32
      %dma_wait3A_225 = tpu.memref_slice %arg6[%mul3A_218, %dma_wait3A_224] : memref<125x80xi32, #tpu.memory_space<vmem>> -> memref<1x80xi32, #tpu.memory_space<vmem>>
      %dma_wait3A_226 = tpu.memref_squeeze %dma_wait3A_225 : memref<1x80xi32, #tpu.memory_space<vmem>> -> memref<80xi32, #tpu.memory_space<vmem>>
      %dma_wait3A_227 = arith.constant 0 : i32
      %dma_wait3A_228 = arith.constant 0 : i32
      %dma_wait3A_229 = tpu.memref_slice %arg4[%dma_wait3A_227, %dma_wait3A_228] : memref<10000x128xf32, #tpu.memory_space<hbm>> -> memref<10000x128xf32, #tpu.memory_space<hbm>>
      tpu.wait_indirect_dma semaphore(%arg11 : memref<!tpu.dma_semaphore, #tpu.memory_space<semaphore_mem>>) src(%dma_wait3A_229 : memref<10000x128xf32, #tpu.memory_space<hbm>>) dst(%dma_wait3A_223 : memref<80x128xf32, #tpu.memory_space<vmem>>)
      %dma_wait3A_230 = arith.constant 0 : i32
      %dma_wait3A_231 = arith.constant 0 : i32
      %dma_wait3A_232 = arith.constant 0 : i32
      %dma_wait3A_233 = tpu.memref_slice %arg7[%dma_wait3A_230, %dma_wait3A_231, %dma_wait3A_232] : memref<2x1x80xi32, #tpu.memory_space<vmem>> -> memref<1x1x80xi32, #tpu.memory_space<vmem>>
      %dma_wait3A_234 = tpu.memref_squeeze %dma_wait3A_233 : memref<1x1x80xi32, #tpu.memory_space<vmem>> -> memref<1x80xi32, #tpu.memory_space<vmem>>
      %dma_wait3A_235 = arith.constant 0 : i32
      %dma_wait3A_236 = arith.constant 0 : i32
      %dma_wait3A_237 = tpu.memref_slice %arg3[%add3A, %mul3A_218, %dma_wait3A_235, %dma_wait3A_236] : memref<32x125x1x80xi32, #tpu.memory_space<hbm>> -> memref<1x1x1x80xi32, #tpu.memory_space<hbm>>
      %dma_wait3A_238 = tpu.memref_squeeze %dma_wait3A_237 : memref<1x1x1x80xi32, #tpu.memory_space<hbm>> -> memref<1x80xi32, #tpu.memory_space<hbm>>
      %dma_wait3A_239 = arith.constant 0 : i32
      %dma_wait3A_240 = arith.constant 0 : i32
      %dma_wait3A_241 = tpu.memref_slice %arg7[%dma_wait3A_230, %dma_wait3A_239, %dma_wait3A_240] : memref<2x1x80xi32, #tpu.memory_space<vmem>> -> memref<1x1x80xi32, #tpu.memory_space<vmem>>
      %dma_wait3A_242 = tpu.memref_squeeze %dma_wait3A_241 : memref<1x1x80xi32, #tpu.memory_space<vmem>> -> memref<1x80xi32, #tpu.memory_space<vmem>>
      %dma_wait3A_243 = arith.constant 0 : i32
      %dma_wait3A_244 = arith.constant 0 : i32
      %dma_wait3A_245 = tpu.memref_slice %arg3[%add3A, %mul3A_218, %dma_wait3A_243, %dma_wait3A_244] : memref<32x125x1x80xi32, #tpu.memory_space<hbm>> -> memref<1x1x1x80xi32, #tpu.memory_space<hbm>>
      %dma_wait3A_246 = tpu.memref_squeeze %dma_wait3A_245 : memref<1x1x1x80xi32, #tpu.memory_space<hbm>> -> memref<1x80xi32, #tpu.memory_space<hbm>>
      tpu.wait_dma2 semaphore(%arg13 : memref<!tpu.dma_semaphore, #tpu.memory_space<semaphore_mem>>) src(%dma_wait3A_246 : memref<1x80xi32, #tpu.memory_space<hbm>>) dst(%dma_wait3A_242 : memref<1x80xi32, #tpu.memory_space<vmem>>)
      %run_scoped3A_247 = arith.constant 0 : i32
      %run_scoped3A_248 = arith.constant 0 : i32
      %run_scoped3A_249 = arith.constant 0 : i32
      "tpu.region"() ({
        %run_scoped3A_350 = tpu.sem_alloc : memref<!tpu.dma_semaphore, #tpu.memory_space<semaphore_mem>>
        %dma_start3A_351 = arith.constant 0 : i32
        %dma_start3A_352 = arith.constant 0 : i32
        %dma_start3A_353 = tpu.memref_slice %arg8[%run_scoped3A_247, %dma_start3A_351, %dma_start3A_352] : memref<2x80x128xf32, #tpu.memory_space<vmem>> -> memref<1x80x128xf32, #tpu.memory_space<vmem>>
        %dma_start3A_354 = tpu.memref_squeeze %dma_start3A_353 : memref<1x80x128xf32, #tpu.memory_space<vmem>> -> memref<80x128xf32, #tpu.memory_space<vmem>>
        %dma_start3A_355 = arith.constant 0 : i32
        %dma_start3A_356 = tpu.memref_slice %arg7[%run_scoped3A_248, %run_scoped3A_249, %dma_start3A_355] : memref<2x1x80xi32, #tpu.memory_space<vmem>> -> memref<1x1x80xi32, #tpu.memory_space<vmem>>
        %dma_start3A_357 = tpu.memref_squeeze %dma_start3A_356 : memref<1x1x80xi32, #tpu.memory_space<vmem>> -> memref<80xi32, #tpu.memory_space<vmem>>
        %dma_start3A_358 = arith.constant 0 : i32
        %dma_start3A_359 = arith.constant 0 : i32
        %dma_start3A_360 = tpu.memref_slice %arg10[%dma_start3A_358, %dma_start3A_359] : memref<10240x128xf32, #tpu.memory_space<vmem_shared>> -> memref<10240x128xf32, #tpu.memory_space<vmem_shared>>
        tpu.enqueue_indirect_dma source(%dma_start3A_354 : memref<80x128xf32, #tpu.memory_space<vmem>>) target(%dma_start3A_360 : memref<10240x128xf32, #tpu.memory_space<vmem_shared>>) offsets(%dma_start3A_357 : memref<80xi32, #tpu.memory_space<vmem>>) semaphore(%run_scoped3A_350 : memref<!tpu.dma_semaphore, #tpu.memory_space<semaphore_mem>>) {add = true}
        %dma_wait3A_361 = arith.constant 0 : i32
        %dma_wait3A_362 = arith.constant 0 : i32
        %dma_wait3A_363 = tpu.memref_slice %arg8[%run_scoped3A_247, %dma_wait3A_361, %dma_wait3A_362] : memref<2x80x128xf32, #tpu.memory_space<vmem>> -> memref<1x80x128xf32, #tpu.memory_space<vmem>>
        %dma_wait3A_364 = tpu.memref_squeeze %dma_wait3A_363 : memref<1x80x128xf32, #tpu.memory_space<vmem>> -> memref<80x128xf32, #tpu.memory_space<vmem>>
        %dma_wait3A_365 = arith.constant 0 : i32
        %dma_wait3A_366 = tpu.memref_slice %arg7[%run_scoped3A_248, %run_scoped3A_249, %dma_wait3A_365] : memref<2x1x80xi32, #tpu.memory_space<vmem>> -> memref<1x1x80xi32, #tpu.memory_space<vmem>>
        %dma_wait3A_367 = tpu.memref_squeeze %dma_wait3A_366 : memref<1x1x80xi32, #tpu.memory_space<vmem>> -> memref<80xi32, #tpu.memory_space<vmem>>
        %dma_wait3A_368 = arith.constant 0 : i32
        %dma_wait3A_369 = arith.constant 0 : i32
        %dma_wait3A_370 = tpu.memref_slice %arg10[%dma_wait3A_368, %dma_wait3A_369] : memref<10240x128xf32, #tpu.memory_space<vmem_shared>> -> memref<10240x128xf32, #tpu.memory_space<vmem_shared>>
        tpu.wait_indirect_dma semaphore(%run_scoped3A_350 : memref<!tpu.dma_semaphore, #tpu.memory_space<semaphore_mem>>) src(%dma_wait3A_364 : memref<80x128xf32, #tpu.memory_space<vmem>>) dst(%dma_wait3A_370 : memref<10240x128xf32, #tpu.memory_space<vmem_shared>>)
        tpu.yield
      }) : () -> ()
      %add3A_250 = arith.constant 2 : i32
      %add3A_251 = arith.addi %mul3A_218, %add3A_250 : i32
      %dma_start3A_252 = arith.constant 0 : i32
      %dma_start3A_253 = arith.constant 0 : i32
      %dma_start3A_254 = arith.constant 0 : i32
      %dma_start3A_255 = tpu.memref_slice %arg7[%dma_start3A_252, %dma_start3A_253, %dma_start3A_254] : memref<2x1x80xi32, #tpu.memory_space<vmem>> -> memref<1x1x80xi32, #tpu.memory_space<vmem>>
      %dma_start3A_256 = tpu.memref_squeeze %dma_start3A_255 : memref<1x1x80xi32, #tpu.memory_space<vmem>> -> memref<1x80xi32, #tpu.memory_space<vmem>>
      %dma_start3A_257 = arith.constant 0 : i32
      %dma_start3A_258 = arith.constant 0 : i32
      %dma_start3A_259 = tpu.memref_slice %arg3[%add3A, %add3A_251, %dma_start3A_257, %dma_start3A_258] : memref<32x125x1x80xi32, #tpu.memory_space<hbm>> -> memref<1x1x1x80xi32, #tpu.memory_space<hbm>>
      %dma_start3A_260 = tpu.memref_squeeze %dma_start3A_259 : memref<1x1x1x80xi32, #tpu.memory_space<hbm>> -> memref<1x80xi32, #tpu.memory_space<hbm>>
      %dma_start3A_261 = arith.constant 0 : i32
      %dma_start3A_262 = arith.constant 0 : i32
      %dma_start3A_263 = tpu.memref_slice %arg7[%dma_start3A_252, %dma_start3A_261, %dma_start3A_262] : memref<2x1x80xi32, #tpu.memory_space<vmem>> -> memref<1x1x80xi32, #tpu.memory_space<vmem>>
      %dma_start3A_264 = tpu.memref_squeeze %dma_start3A_263 : memref<1x1x80xi32, #tpu.memory_space<vmem>> -> memref<1x80xi32, #tpu.memory_space<vmem>>
      %dma_start3A_265 = arith.constant 0 : i32
      %dma_start3A_266 = arith.constant 0 : i32
      %dma_start3A_267 = tpu.memref_slice %arg3[%add3A, %add3A_251, %dma_start3A_265, %dma_start3A_266] : memref<32x125x1x80xi32, #tpu.memory_space<hbm>> -> memref<1x1x1x80xi32, #tpu.memory_space<hbm>>
      %dma_start3A_268 = tpu.memref_squeeze %dma_start3A_267 : memref<1x1x1x80xi32, #tpu.memory_space<hbm>> -> memref<1x80xi32, #tpu.memory_space<hbm>>
      tpu.enqueue_dma source(%dma_start3A_268 : memref<1x80xi32, #tpu.memory_space<hbm>>) target(%dma_start3A_264 : memref<1x80xi32, #tpu.memory_space<vmem>>) target_semaphore(%arg13 : memref<!tpu.dma_semaphore, #tpu.memory_space<semaphore_mem>>)
      %add3A_269 = arith.constant 2 : i32
      %add3A_270 = arith.addi %mul3A_218, %add3A_269 : i32
      %dma_start3A_271 = arith.constant 0 : i32
      %dma_start3A_272 = arith.constant 0 : i32
      %dma_start3A_273 = arith.constant 0 : i32
      %dma_start3A_274 = tpu.memref_slice %arg8[%dma_start3A_271, %dma_start3A_272, %dma_start3A_273] : memref<2x80x128xf32, #tpu.memory_space<vmem>> -> memref<1x80x128xf32, #tpu.memory_space<vmem>>
      %dma_start3A_275 = tpu.memref_squeeze %dma_start3A_274 : memref<1x80x128xf32, #tpu.memory_space<vmem>> -> memref<80x128xf32, #tpu.memory_space<vmem>>
      %dma_start3A_276 = arith.constant 0 : i32
      %dma_start3A_277 = tpu.memref_slice %arg6[%add3A_270, %dma_start3A_276] : memref<125x80xi32, #tpu.memory_space<vmem>> -> memref<1x80xi32, #tpu.memory_space<vmem>>
      %dma_start3A_278 = tpu.memref_squeeze %dma_start3A_277 : memref<1x80xi32, #tpu.memory_space<vmem>> -> memref<80xi32, #tpu.memory_space<vmem>>
      %dma_start3A_279 = arith.constant 0 : i32
      %dma_start3A_280 = arith.constant 0 : i32
      %dma_start3A_281 = tpu.memref_slice %arg4[%dma_start3A_279, %dma_start3A_280] : memref<10000x128xf32, #tpu.memory_space<hbm>> -> memref<10000x128xf32, #tpu.memory_space<hbm>>
      tpu.enqueue_indirect_dma source(%dma_start3A_281 : memref<10000x128xf32, #tpu.memory_space<hbm>>) target(%dma_start3A_275 : memref<80x128xf32, #tpu.memory_space<vmem>>) offsets(%dma_start3A_278 : memref<80xi32, #tpu.memory_space<vmem>>) semaphore(%arg11 : memref<!tpu.dma_semaphore, #tpu.memory_space<semaphore_mem>>)
      %add3A_282 = arith.constant 1 : i32
      %add3A_283 = arith.addi %mul3A_218, %add3A_282 : i32
      %dma_wait3A_284 = arith.constant 1 : i32
      %dma_wait3A_285 = arith.constant 0 : i32
      %dma_wait3A_286 = arith.constant 0 : i32
      %dma_wait3A_287 = tpu.memref_slice %arg8[%dma_wait3A_284, %dma_wait3A_285, %dma_wait3A_286] : memref<2x80x128xf32, #tpu.memory_space<vmem>> -> memref<1x80x128xf32, #tpu.memory_space<vmem>>
      %dma_wait3A_288 = tpu.memref_squeeze %dma_wait3A_287 : memref<1x80x128xf32, #tpu.memory_space<vmem>> -> memref<80x128xf32, #tpu.memory_space<vmem>>
      %dma_wait3A_289 = arith.constant 0 : i32
      %dma_wait3A_290 = tpu.memref_slice %arg6[%add3A_283, %dma_wait3A_289] : memref<125x80xi32, #tpu.memory_space<vmem>> -> memref<1x80xi32, #tpu.memory_space<vmem>>
      %dma_wait3A_291 = tpu.memref_squeeze %dma_wait3A_290 : memref<1x80xi32, #tpu.memory_space<vmem>> -> memref<80xi32, #tpu.memory_space<vmem>>
      %dma_wait3A_292 = arith.constant 0 : i32
      %dma_wait3A_293 = arith.constant 0 : i32
      %dma_wait3A_294 = tpu.memref_slice %arg4[%dma_wait3A_292, %dma_wait3A_293] : memref<10000x128xf32, #tpu.memory_space<hbm>> -> memref<10000x128xf32, #tpu.memory_space<hbm>>
      tpu.wait_indirect_dma semaphore(%arg12 : memref<!tpu.dma_semaphore, #tpu.memory_space<semaphore_mem>>) src(%dma_wait3A_294 : memref<10000x128xf32, #tpu.memory_space<hbm>>) dst(%dma_wait3A_288 : memref<80x128xf32, #tpu.memory_space<vmem>>)
      %add3A_295 = arith.constant 1 : i32
      %add3A_296 = arith.addi %mul3A_218, %add3A_295 : i32
      %dma_wait3A_297 = arith.constant 1 : i32
      %dma_wait3A_298 = arith.constant 0 : i32
      %dma_wait3A_299 = arith.constant 0 : i32
      %dma_wait3A_300 = tpu.memref_slice %arg7[%dma_wait3A_297, %dma_wait3A_298, %dma_wait3A_299] : memref<2x1x80xi32, #tpu.memory_space<vmem>> -> memref<1x1x80xi32, #tpu.memory_space<vmem>>
      %dma_wait3A_301 = tpu.memref_squeeze %dma_wait3A_300 : memref<1x1x80xi32, #tpu.memory_space<vmem>> -> memref<1x80xi32, #tpu.memory_space<vmem>>
      %dma_wait3A_302 = arith.constant 0 : i32
      %dma_wait3A_303 = arith.constant 0 : i32
      %dma_wait3A_304 = tpu.memref_slice %arg3[%add3A, %add3A_296, %dma_wait3A_302, %dma_wait3A_303] : memref<32x125x1x80xi32, #tpu.memory_space<hbm>> -> memref<1x1x1x80xi32, #tpu.memory_space<hbm>>
      %dma_wait3A_305 = tpu.memref_squeeze %dma_wait3A_304 : memref<1x1x1x80xi32, #tpu.memory_space<hbm>> -> memref<1x80xi32, #tpu.memory_space<hbm>>
      %dma_wait3A_306 = arith.constant 0 : i32
      %dma_wait3A_307 = arith.constant 0 : i32
      %dma_wait3A_308 = tpu.memref_slice %arg7[%dma_wait3A_297, %dma_wait3A_306, %dma_wait3A_307] : memref<2x1x80xi32, #tpu.memory_space<vmem>> -> memref<1x1x80xi32, #tpu.memory_space<vmem>>
      %dma_wait3A_309 = tpu.memref_squeeze %dma_wait3A_308 : memref<1x1x80xi32, #tpu.memory_space<vmem>> -> memref<1x80xi32, #tpu.memory_space<vmem>>
      %dma_wait3A_310 = arith.constant 0 : i32
      %dma_wait3A_311 = arith.constant 0 : i32
      %dma_wait3A_312 = tpu.memref_slice %arg3[%add3A, %add3A_296, %dma_wait3A_310, %dma_wait3A_311] : memref<32x125x1x80xi32, #tpu.memory_space<hbm>> -> memref<1x1x1x80xi32, #tpu.memory_space<hbm>>
      %dma_wait3A_313 = tpu.memref_squeeze %dma_wait3A_312 : memref<1x1x1x80xi32, #tpu.memory_space<hbm>> -> memref<1x80xi32, #tpu.memory_space<hbm>>
      tpu.wait_dma2 semaphore(%arg14 : memref<!tpu.dma_semaphore, #tpu.memory_space<semaphore_mem>>) src(%dma_wait3A_313 : memref<1x80xi32, #tpu.memory_space<hbm>>) dst(%dma_wait3A_309 : memref<1x80xi32, #tpu.memory_space<vmem>>)
      %run_scoped3A_314 = arith.constant 1 : i32
      %run_scoped3A_315 = arith.constant 1 : i32
      %run_scoped3A_316 = arith.constant 0 : i32
      "tpu.region"() ({
        %run_scoped3A_350 = tpu.sem_alloc : memref<!tpu.dma_semaphore, #tpu.memory_space<semaphore_mem>>
        %dma_start3A_351 = arith.constant 0 : i32
        %dma_start3A_352 = arith.constant 0 : i32
        %dma_start3A_353 = tpu.memref_slice %arg8[%run_scoped3A_314, %dma_start3A_351, %dma_start3A_352] : memref<2x80x128xf32, #tpu.memory_space<vmem>> -> memref<1x80x128xf32, #tpu.memory_space<vmem>>
        %dma_start3A_354 = tpu.memref_squeeze %dma_start3A_353 : memref<1x80x128xf32, #tpu.memory_space<vmem>> -> memref<80x128xf32, #tpu.memory_space<vmem>>
        %dma_start3A_355 = arith.constant 0 : i32
        %dma_start3A_356 = tpu.memref_slice %arg7[%run_scoped3A_315, %run_scoped3A_316, %dma_start3A_355] : memref<2x1x80xi32, #tpu.memory_space<vmem>> -> memref<1x1x80xi32, #tpu.memory_space<vmem>>
        %dma_start3A_357 = tpu.memref_squeeze %dma_start3A_356 : memref<1x1x80xi32, #tpu.memory_space<vmem>> -> memref<80xi32, #tpu.memory_space<vmem>>
        %dma_start3A_358 = arith.constant 0 : i32
        %dma_start3A_359 = arith.constant 0 : i32
        %dma_start3A_360 = tpu.memref_slice %arg10[%dma_start3A_358, %dma_start3A_359] : memref<10240x128xf32, #tpu.memory_space<vmem_shared>> -> memref<10240x128xf32, #tpu.memory_space<vmem_shared>>
        tpu.enqueue_indirect_dma source(%dma_start3A_354 : memref<80x128xf32, #tpu.memory_space<vmem>>) target(%dma_start3A_360 : memref<10240x128xf32, #tpu.memory_space<vmem_shared>>) offsets(%dma_start3A_357 : memref<80xi32, #tpu.memory_space<vmem>>) semaphore(%run_scoped3A_350 : memref<!tpu.dma_semaphore, #tpu.memory_space<semaphore_mem>>) {add = true}
        %dma_wait3A_361 = arith.constant 0 : i32
        %dma_wait3A_362 = arith.constant 0 : i32
        %dma_wait3A_363 = tpu.memref_slice %arg8[%run_scoped3A_314, %dma_wait3A_361, %dma_wait3A_362] : memref<2x80x128xf32, #tpu.memory_space<vmem>> -> memref<1x80x128xf32, #tpu.memory_space<vmem>>
        %dma_wait3A_364 = tpu.memref_squeeze %dma_wait3A_363 : memref<1x80x128xf32, #tpu.memory_space<vmem>> -> memref<80x128xf32, #tpu.memory_space<vmem>>
        %dma_wait3A_365 = arith.constant 0 : i32
        %dma_wait3A_366 = tpu.memref_slice %arg7[%run_scoped3A_315, %run_scoped3A_316, %dma_wait3A_365] : memref<2x1x80xi32, #tpu.memory_space<vmem>> -> memref<1x1x80xi32, #tpu.memory_space<vmem>>
        %dma_wait3A_367 = tpu.memref_squeeze %dma_wait3A_366 : memref<1x1x80xi32, #tpu.memory_space<vmem>> -> memref<80xi32, #tpu.memory_space<vmem>>
        %dma_wait3A_368 = arith.constant 0 : i32
        %dma_wait3A_369 = arith.constant 0 : i32
        %dma_wait3A_370 = tpu.memref_slice %arg10[%dma_wait3A_368, %dma_wait3A_369] : memref<10240x128xf32, #tpu.memory_space<vmem_shared>> -> memref<10240x128xf32, #tpu.memory_space<vmem_shared>>
        tpu.wait_indirect_dma semaphore(%run_scoped3A_350 : memref<!tpu.dma_semaphore, #tpu.memory_space<semaphore_mem>>) src(%dma_wait3A_364 : memref<80x128xf32, #tpu.memory_space<vmem>>) dst(%dma_wait3A_370 : memref<10240x128xf32, #tpu.memory_space<vmem_shared>>)
        tpu.yield
      }) : () -> ()
      %add3A_317 = arith.constant 3 : i32
      %add3A_318 = arith.addi %mul3A_218, %add3A_317 : i32
      %dma_start3A_319 = arith.constant 1 : i32
      %dma_start3A_320 = arith.constant 0 : i32
      %dma_start3A_321 = arith.constant 0 : i32
      %dma_start3A_322 = tpu.memref_slice %arg7[%dma_start3A_319, %dma_start3A_320, %dma_start3A_321] : memref<2x1x80xi32, #tpu.memory_space<vmem>> -> memref<1x1x80xi32, #tpu.memory_space<vmem>>
      %dma_start3A_323 = tpu.memref_squeeze %dma_start3A_322 : memref<1x1x80xi32, #tpu.memory_space<vmem>> -> memref<1x80xi32, #tpu.memory_space<vmem>>
      %dma_start3A_324 = arith.constant 0 : i32
      %dma_start3A_325 = arith.constant 0 : i32
      %dma_start3A_326 = tpu.memref_slice %arg3[%add3A, %add3A_318, %dma_start3A_324, %dma_start3A_325] : memref<32x125x1x80xi32, #tpu.memory_space<hbm>> -> memref<1x1x1x80xi32, #tpu.memory_space<hbm>>
      %dma_start3A_327 = tpu.memref_squeeze %dma_start3A_326 : memref<1x1x1x80xi32, #tpu.memory_space<hbm>> -> memref<1x80xi32, #tpu.memory_space<hbm>>
      %dma_start3A_328 = arith.constant 0 : i32
      %dma_start3A_329 = arith.constant 0 : i32
      %dma_start3A_330 = tpu.memref_slice %arg7[%dma_start3A_319, %dma_start3A_328, %dma_start3A_329] : memref<2x1x80xi32, #tpu.memory_space<vmem>> -> memref<1x1x80xi32, #tpu.memory_space<vmem>>
      %dma_start3A_331 = tpu.memref_squeeze %dma_start3A_330 : memref<1x1x80xi32, #tpu.memory_space<vmem>> -> memref<1x80xi32, #tpu.memory_space<vmem>>
      %dma_start3A_332 = arith.constant 0 : i32
      %dma_start3A_333 = arith.constant 0 : i32
      %dma_start3A_334 = tpu.memref_slice %arg3[%add3A, %add3A_318, %dma_start3A_332, %dma_start3A_333] : memref<32x125x1x80xi32, #tpu.memory_space<hbm>> -> memref<1x1x1x80xi32, #tpu.memory_space<hbm>>
      %dma_start3A_335 = tpu.memref_squeeze %dma_start3A_334 : memref<1x1x1x80xi32, #tpu.memory_space<hbm>> -> memref<1x80xi32, #tpu.memory_space<hbm>>
      tpu.enqueue_dma source(%dma_start3A_335 : memref<1x80xi32, #tpu.memory_space<hbm>>) target(%dma_start3A_331 : memref<1x80xi32, #tpu.memory_space<vmem>>) target_semaphore(%arg14 : memref<!tpu.dma_semaphore, #tpu.memory_space<semaphore_mem>>)
      %add3A_336 = arith.constant 3 : i32
      %add3A_337 = arith.addi %mul3A_218, %add3A_336 : i32
      %dma_start3A_338 = arith.constant 1 : i32
      %dma_start3A_339 = arith.constant 0 : i32
      %dma_start3A_340 = arith.constant 0 : i32
      %dma_start3A_341 = tpu.memref_slice %arg8[%dma_start3A_338, %dma_start3A_339, %dma_start3A_340] : memref<2x80x128xf32, #tpu.memory_space<vmem>> -> memref<1x80x128xf32, #tpu.memory_space<vmem>>
      %dma_start3A_342 = tpu.memref_squeeze %dma_start3A_341 : memref<1x80x128xf32, #tpu.memory_space<vmem>> -> memref<80x128xf32, #tpu.memory_space<vmem>>
      %dma_start3A_343 = arith.constant 0 : i32
      %dma_start3A_344 = tpu.memref_slice %arg6[%add3A_337, %dma_start3A_343] : memref<125x80xi32, #tpu.memory_space<vmem>> -> memref<1x80xi32, #tpu.memory_space<vmem>>
      %dma_start3A_345 = tpu.memref_squeeze %dma_start3A_344 : memref<1x80xi32, #tpu.memory_space<vmem>> -> memref<80xi32, #tpu.memory_space<vmem>>
      %dma_start3A_346 = arith.constant 0 : i32
      %dma_start3A_347 = arith.constant 0 : i32
      %dma_start3A_348 = tpu.memref_slice %arg4[%dma_start3A_346, %dma_start3A_347] : memref<10000x128xf32, #tpu.memory_space<hbm>> -> memref<10000x128xf32, #tpu.memory_space<hbm>>
      tpu.enqueue_indirect_dma source(%dma_start3A_348 : memref<10000x128xf32, #tpu.memory_space<hbm>>) target(%dma_start3A_342 : memref<80x128xf32, #tpu.memory_space<vmem>>) offsets(%dma_start3A_345 : memref<80xi32, #tpu.memory_space<vmem>>) semaphore(%arg12 : memref<!tpu.dma_semaphore, #tpu.memory_space<semaphore_mem>>)
      %scan3A_349 = arith.constant 0 : i32
      scf.yield %scan3A_349 : i32
    }
    %scan3A_79 = arith.constant 61 : i32
    %dma_wait3A = arith.constant 122 : i32
    %dma_wait3A_80 = arith.constant 0 : i32
    %dma_wait3A_81 = arith.constant 0 : i32
    %dma_wait3A_82 = arith.constant 0 : i32
    %dma_wait3A_83 = tpu.memref_slice %arg8[%dma_wait3A_80, %dma_wait3A_81, %dma_wait3A_82] : memref<2x80x128xf32, #tpu.memory_space<vmem>> -> memref<1x80x128xf32, #tpu.memory_space<vmem>>
    %dma_wait3A_84 = tpu.memref_squeeze %dma_wait3A_83 : memref<1x80x128xf32, #tpu.memory_space<vmem>> -> memref<80x128xf32, #tpu.memory_space<vmem>>
    %dma_wait3A_85 = arith.constant 0 : i32
    %dma_wait3A_86 = tpu.memref_slice %arg6[%dma_wait3A, %dma_wait3A_85] : memref<125x80xi32, #tpu.memory_space<vmem>> -> memref<1x80xi32, #tpu.memory_space<vmem>>
    %dma_wait3A_87 = tpu.memref_squeeze %dma_wait3A_86 : memref<1x80xi32, #tpu.memory_space<vmem>> -> memref<80xi32, #tpu.memory_space<vmem>>
    %dma_wait3A_88 = arith.constant 0 : i32
    %dma_wait3A_89 = arith.constant 0 : i32
    %dma_wait3A_90 = tpu.memref_slice %arg4[%dma_wait3A_88, %dma_wait3A_89] : memref<10000x128xf32, #tpu.memory_space<hbm>> -> memref<10000x128xf32, #tpu.memory_space<hbm>>
    tpu.wait_indirect_dma semaphore(%arg11 : memref<!tpu.dma_semaphore, #tpu.memory_space<semaphore_mem>>) src(%dma_wait3A_90 : memref<10000x128xf32, #tpu.memory_space<hbm>>) dst(%dma_wait3A_84 : memref<80x128xf32, #tpu.memory_space<vmem>>)
    %dma_wait3A_91 = arith.constant 122 : i32
    %dma_wait3A_92 = arith.constant 0 : i32
    %dma_wait3A_93 = arith.constant 0 : i32
    %dma_wait3A_94 = arith.constant 0 : i32
    %dma_wait3A_95 = tpu.memref_slice %arg7[%dma_wait3A_92, %dma_wait3A_93, %dma_wait3A_94] : memref<2x1x80xi32, #tpu.memory_space<vmem>> -> memref<1x1x80xi32, #tpu.memory_space<vmem>>
    %dma_wait3A_96 = tpu.memref_squeeze %dma_wait3A_95 : memref<1x1x80xi32, #tpu.memory_space<vmem>> -> memref<1x80xi32, #tpu.memory_space<vmem>>
    %dma_wait3A_97 = arith.constant 0 : i32
    %dma_wait3A_98 = arith.constant 0 : i32
    %dma_wait3A_99 = tpu.memref_slice %arg3[%add3A, %dma_wait3A_91, %dma_wait3A_97, %dma_wait3A_98] : memref<32x125x1x80xi32, #tpu.memory_space<hbm>> -> memref<1x1x1x80xi32, #tpu.memory_space<hbm>>
    %dma_wait3A_100 = tpu.memref_squeeze %dma_wait3A_99 : memref<1x1x1x80xi32, #tpu.memory_space<hbm>> -> memref<1x80xi32, #tpu.memory_space<hbm>>
    %dma_wait3A_101 = arith.constant 0 : i32
    %dma_wait3A_102 = arith.constant 0 : i32
    %dma_wait3A_103 = tpu.memref_slice %arg7[%dma_wait3A_92, %dma_wait3A_101, %dma_wait3A_102] : memref<2x1x80xi32, #tpu.memory_space<vmem>> -> memref<1x1x80xi32, #tpu.memory_space<vmem>>
    %dma_wait3A_104 = tpu.memref_squeeze %dma_wait3A_103 : memref<1x1x80xi32, #tpu.memory_space<vmem>> -> memref<1x80xi32, #tpu.memory_space<vmem>>
    %dma_wait3A_105 = arith.constant 0 : i32
    %dma_wait3A_106 = arith.constant 0 : i32
    %dma_wait3A_107 = tpu.memref_slice %arg3[%add3A, %dma_wait3A_91, %dma_wait3A_105, %dma_wait3A_106] : memref<32x125x1x80xi32, #tpu.memory_space<hbm>> -> memref<1x1x1x80xi32, #tpu.memory_space<hbm>>
    %dma_wait3A_108 = tpu.memref_squeeze %dma_wait3A_107 : memref<1x1x1x80xi32, #tpu.memory_space<hbm>> -> memref<1x80xi32, #tpu.memory_space<hbm>>
    tpu.wait_dma2 semaphore(%arg13 : memref<!tpu.dma_semaphore, #tpu.memory_space<semaphore_mem>>) src(%dma_wait3A_108 : memref<1x80xi32, #tpu.memory_space<hbm>>) dst(%dma_wait3A_104 : memref<1x80xi32, #tpu.memory_space<vmem>>)
    %run_scoped3A = arith.constant 0 : i32
    %run_scoped3A_109 = arith.constant 0 : i32
    %run_scoped3A_110 = arith.constant 0 : i32
    "tpu.region"() ({
      %run_scoped3A_215 = tpu.sem_alloc : memref<!tpu.dma_semaphore, #tpu.memory_space<semaphore_mem>>
      %dma_start3A_216 = arith.constant 0 : i32
      %dma_start3A_217 = arith.constant 0 : i32
      %dma_start3A_218 = tpu.memref_slice %arg8[%run_scoped3A, %dma_start3A_216, %dma_start3A_217] : memref<2x80x128xf32, #tpu.memory_space<vmem>> -> memref<1x80x128xf32, #tpu.memory_space<vmem>>
      %dma_start3A_219 = tpu.memref_squeeze %dma_start3A_218 : memref<1x80x128xf32, #tpu.memory_space<vmem>> -> memref<80x128xf32, #tpu.memory_space<vmem>>
      %dma_start3A_220 = arith.constant 0 : i32
      %dma_start3A_221 = tpu.memref_slice %arg7[%run_scoped3A_109, %run_scoped3A_110, %dma_start3A_220] : memref<2x1x80xi32, #tpu.memory_space<vmem>> -> memref<1x1x80xi32, #tpu.memory_space<vmem>>
      %dma_start3A_222 = tpu.memref_squeeze %dma_start3A_221 : memref<1x1x80xi32, #tpu.memory_space<vmem>> -> memref<80xi32, #tpu.memory_space<vmem>>
      %dma_start3A_223 = arith.constant 0 : i32
      %dma_start3A_224 = arith.constant 0 : i32
      %dma_start3A_225 = tpu.memref_slice %arg10[%dma_start3A_223, %dma_start3A_224] : memref<10240x128xf32, #tpu.memory_space<vmem_shared>> -> memref<10240x128xf32, #tpu.memory_space<vmem_shared>>
      tpu.enqueue_indirect_dma source(%dma_start3A_219 : memref<80x128xf32, #tpu.memory_space<vmem>>) target(%dma_start3A_225 : memref<10240x128xf32, #tpu.memory_space<vmem_shared>>) offsets(%dma_start3A_222 : memref<80xi32, #tpu.memory_space<vmem>>) semaphore(%run_scoped3A_215 : memref<!tpu.dma_semaphore, #tpu.memory_space<semaphore_mem>>) {add = true}
      %dma_wait3A_226 = arith.constant 0 : i32
      %dma_wait3A_227 = arith.constant 0 : i32
      %dma_wait3A_228 = tpu.memref_slice %arg8[%run_scoped3A, %dma_wait3A_226, %dma_wait3A_227] : memref<2x80x128xf32, #tpu.memory_space<vmem>> -> memref<1x80x128xf32, #tpu.memory_space<vmem>>
      %dma_wait3A_229 = tpu.memref_squeeze %dma_wait3A_228 : memref<1x80x128xf32, #tpu.memory_space<vmem>> -> memref<80x128xf32, #tpu.memory_space<vmem>>
      %dma_wait3A_230 = arith.constant 0 : i32
      %dma_wait3A_231 = tpu.memref_slice %arg7[%run_scoped3A_109, %run_scoped3A_110, %dma_wait3A_230] : memref<2x1x80xi32, #tpu.memory_space<vmem>> -> memref<1x1x80xi32, #tpu.memory_space<vmem>>
      %dma_wait3A_232 = tpu.memref_squeeze %dma_wait3A_231 : memref<1x1x80xi32, #tpu.memory_space<vmem>> -> memref<80xi32, #tpu.memory_space<vmem>>
      %dma_wait3A_233 = arith.constant 0 : i32
      %dma_wait3A_234 = arith.constant 0 : i32
      %dma_wait3A_235 = tpu.memref_slice %arg10[%dma_wait3A_233, %dma_wait3A_234] : memref<10240x128xf32, #tpu.memory_space<vmem_shared>> -> memref<10240x128xf32, #tpu.memory_space<vmem_shared>>
      tpu.wait_indirect_dma semaphore(%run_scoped3A_215 : memref<!tpu.dma_semaphore, #tpu.memory_space<semaphore_mem>>) src(%dma_wait3A_229 : memref<80x128xf32, #tpu.memory_space<vmem>>) dst(%dma_wait3A_235 : memref<10240x128xf32, #tpu.memory_space<vmem_shared>>)
      tpu.yield
    }) : () -> ()
    %dma_start3A_111 = arith.constant 124 : i32
    %dma_start3A_112 = arith.constant 0 : i32
    %dma_start3A_113 = arith.constant 0 : i32
    %dma_start3A_114 = arith.constant 0 : i32
    %dma_start3A_115 = tpu.memref_slice %arg7[%dma_start3A_112, %dma_start3A_113, %dma_start3A_114] : memref<2x1x80xi32, #tpu.memory_space<vmem>> -> memref<1x1x80xi32, #tpu.memory_space<vmem>>
    %dma_start3A_116 = tpu.memref_squeeze %dma_start3A_115 : memref<1x1x80xi32, #tpu.memory_space<vmem>> -> memref<1x80xi32, #tpu.memory_space<vmem>>
    %dma_start3A_117 = arith.constant 0 : i32
    %dma_start3A_118 = arith.constant 0 : i32
    %dma_start3A_119 = tpu.memref_slice %arg3[%add3A, %dma_start3A_111, %dma_start3A_117, %dma_start3A_118] : memref<32x125x1x80xi32, #tpu.memory_space<hbm>> -> memref<1x1x1x80xi32, #tpu.memory_space<hbm>>
    %dma_start3A_120 = tpu.memref_squeeze %dma_start3A_119 : memref<1x1x1x80xi32, #tpu.memory_space<hbm>> -> memref<1x80xi32, #tpu.memory_space<hbm>>
    %dma_start3A_121 = arith.constant 0 : i32
    %dma_start3A_122 = arith.constant 0 : i32
    %dma_start3A_123 = tpu.memref_slice %arg7[%dma_start3A_112, %dma_start3A_121, %dma_start3A_122] : memref<2x1x80xi32, #tpu.memory_space<vmem>> -> memref<1x1x80xi32, #tpu.memory_space<vmem>>
    %dma_start3A_124 = tpu.memref_squeeze %dma_start3A_123 : memref<1x1x80xi32, #tpu.memory_space<vmem>> -> memref<1x80xi32, #tpu.memory_space<vmem>>
    %dma_start3A_125 = arith.constant 0 : i32
    %dma_start3A_126 = arith.constant 0 : i32
    %dma_start3A_127 = tpu.memref_slice %arg3[%add3A, %dma_start3A_111, %dma_start3A_125, %dma_start3A_126] : memref<32x125x1x80xi32, #tpu.memory_space<hbm>> -> memref<1x1x1x80xi32, #tpu.memory_space<hbm>>
    %dma_start3A_128 = tpu.memref_squeeze %dma_start3A_127 : memref<1x1x1x80xi32, #tpu.memory_space<hbm>> -> memref<1x80xi32, #tpu.memory_space<hbm>>
    tpu.enqueue_dma source(%dma_start3A_128 : memref<1x80xi32, #tpu.memory_space<hbm>>) target(%dma_start3A_124 : memref<1x80xi32, #tpu.memory_space<vmem>>) target_semaphore(%arg13 : memref<!tpu.dma_semaphore, #tpu.memory_space<semaphore_mem>>)
    %dma_start3A_129 = arith.constant 124 : i32
    %dma_start3A_130 = arith.constant 0 : i32
    %dma_start3A_131 = arith.constant 0 : i32
    %dma_start3A_132 = arith.constant 0 : i32
    %dma_start3A_133 = tpu.memref_slice %arg8[%dma_start3A_130, %dma_start3A_131, %dma_start3A_132] : memref<2x80x128xf32, #tpu.memory_space<vmem>> -> memref<1x80x128xf32, #tpu.memory_space<vmem>>
    %dma_start3A_134 = tpu.memref_squeeze %dma_start3A_133 : memref<1x80x128xf32, #tpu.memory_space<vmem>> -> memref<80x128xf32, #tpu.memory_space<vmem>>
    %dma_start3A_135 = arith.constant 0 : i32
    %dma_start3A_136 = tpu.memref_slice %arg6[%dma_start3A_129, %dma_start3A_135] : memref<125x80xi32, #tpu.memory_space<vmem>> -> memref<1x80xi32, #tpu.memory_space<vmem>>
    %dma_start3A_137 = tpu.memref_squeeze %dma_start3A_136 : memref<1x80xi32, #tpu.memory_space<vmem>> -> memref<80xi32, #tpu.memory_space<vmem>>
    %dma_start3A_138 = arith.constant 0 : i32
    %dma_start3A_139 = arith.constant 0 : i32
    %dma_start3A_140 = tpu.memref_slice %arg4[%dma_start3A_138, %dma_start3A_139] : memref<10000x128xf32, #tpu.memory_space<hbm>> -> memref<10000x128xf32, #tpu.memory_space<hbm>>
    tpu.enqueue_indirect_dma source(%dma_start3A_140 : memref<10000x128xf32, #tpu.memory_space<hbm>>) target(%dma_start3A_134 : memref<80x128xf32, #tpu.memory_space<vmem>>) offsets(%dma_start3A_137 : memref<80xi32, #tpu.memory_space<vmem>>) semaphore(%arg11 : memref<!tpu.dma_semaphore, #tpu.memory_space<semaphore_mem>>)
    %dma_wait3A_141 = arith.constant 123 : i32
    %dma_wait3A_142 = arith.constant 1 : i32
    %dma_wait3A_143 = arith.constant 0 : i32
    %dma_wait3A_144 = arith.constant 0 : i32
    %dma_wait3A_145 = tpu.memref_slice %arg8[%dma_wait3A_142, %dma_wait3A_143, %dma_wait3A_144] : memref<2x80x128xf32, #tpu.memory_space<vmem>> -> memref<1x80x128xf32, #tpu.memory_space<vmem>>
    %dma_wait3A_146 = tpu.memref_squeeze %dma_wait3A_145 : memref<1x80x128xf32, #tpu.memory_space<vmem>> -> memref<80x128xf32, #tpu.memory_space<vmem>>
    %dma_wait3A_147 = arith.constant 0 : i32
    %dma_wait3A_148 = tpu.memref_slice %arg6[%dma_wait3A_141, %dma_wait3A_147] : memref<125x80xi32, #tpu.memory_space<vmem>> -> memref<1x80xi32, #tpu.memory_space<vmem>>
    %dma_wait3A_149 = tpu.memref_squeeze %dma_wait3A_148 : memref<1x80xi32, #tpu.memory_space<vmem>> -> memref<80xi32, #tpu.memory_space<vmem>>
    %dma_wait3A_150 = arith.constant 0 : i32
    %dma_wait3A_151 = arith.constant 0 : i32
    %dma_wait3A_152 = tpu.memref_slice %arg4[%dma_wait3A_150, %dma_wait3A_151] : memref<10000x128xf32, #tpu.memory_space<hbm>> -> memref<10000x128xf32, #tpu.memory_space<hbm>>
    tpu.wait_indirect_dma semaphore(%arg12 : memref<!tpu.dma_semaphore, #tpu.memory_space<semaphore_mem>>) src(%dma_wait3A_152 : memref<10000x128xf32, #tpu.memory_space<hbm>>) dst(%dma_wait3A_146 : memref<80x128xf32, #tpu.memory_space<vmem>>)
    %dma_wait3A_153 = arith.constant 123 : i32
    %dma_wait3A_154 = arith.constant 1 : i32
    %dma_wait3A_155 = arith.constant 0 : i32
    %dma_wait3A_156 = arith.constant 0 : i32
    %dma_wait3A_157 = tpu.memref_slice %arg7[%dma_wait3A_154, %dma_wait3A_155, %dma_wait3A_156] : memref<2x1x80xi32, #tpu.memory_space<vmem>> -> memref<1x1x80xi32, #tpu.memory_space<vmem>>
    %dma_wait3A_158 = tpu.memref_squeeze %dma_wait3A_157 : memref<1x1x80xi32, #tpu.memory_space<vmem>> -> memref<1x80xi32, #tpu.memory_space<vmem>>
    %dma_wait3A_159 = arith.constant 0 : i32
    %dma_wait3A_160 = arith.constant 0 : i32
    %dma_wait3A_161 = tpu.memref_slice %arg3[%add3A, %dma_wait3A_153, %dma_wait3A_159, %dma_wait3A_160] : memref<32x125x1x80xi32, #tpu.memory_space<hbm>> -> memref<1x1x1x80xi32, #tpu.memory_space<hbm>>
    %dma_wait3A_162 = tpu.memref_squeeze %dma_wait3A_161 : memref<1x1x1x80xi32, #tpu.memory_space<hbm>> -> memref<1x80xi32, #tpu.memory_space<hbm>>
    %dma_wait3A_163 = arith.constant 0 : i32
    %dma_wait3A_164 = arith.constant 0 : i32
    %dma_wait3A_165 = tpu.memref_slice %arg7[%dma_wait3A_154, %dma_wait3A_163, %dma_wait3A_164] : memref<2x1x80xi32, #tpu.memory_space<vmem>> -> memref<1x1x80xi32, #tpu.memory_space<vmem>>
    %dma_wait3A_166 = tpu.memref_squeeze %dma_wait3A_165 : memref<1x1x80xi32, #tpu.memory_space<vmem>> -> memref<1x80xi32, #tpu.memory_space<vmem>>
    %dma_wait3A_167 = arith.constant 0 : i32
    %dma_wait3A_168 = arith.constant 0 : i32
    %dma_wait3A_169 = tpu.memref_slice %arg3[%add3A, %dma_wait3A_153, %dma_wait3A_167, %dma_wait3A_168] : memref<32x125x1x80xi32, #tpu.memory_space<hbm>> -> memref<1x1x1x80xi32, #tpu.memory_space<hbm>>
    %dma_wait3A_170 = tpu.memref_squeeze %dma_wait3A_169 : memref<1x1x1x80xi32, #tpu.memory_space<hbm>> -> memref<1x80xi32, #tpu.memory_space<hbm>>
    tpu.wait_dma2 semaphore(%arg14 : memref<!tpu.dma_semaphore, #tpu.memory_space<semaphore_mem>>) src(%dma_wait3A_170 : memref<1x80xi32, #tpu.memory_space<hbm>>) dst(%dma_wait3A_166 : memref<1x80xi32, #tpu.memory_space<vmem>>)
    %run_scoped3A_171 = arith.constant 1 : i32
    %run_scoped3A_172 = arith.constant 1 : i32
    %run_scoped3A_173 = arith.constant 0 : i32
    "tpu.region"() ({
      %run_scoped3A_215 = tpu.sem_alloc : memref<!tpu.dma_semaphore, #tpu.memory_space<semaphore_mem>>
      %dma_start3A_216 = arith.constant 0 : i32
      %dma_start3A_217 = arith.constant 0 : i32
      %dma_start3A_218 = tpu.memref_slice %arg8[%run_scoped3A_171, %dma_start3A_216, %dma_start3A_217] : memref<2x80x128xf32, #tpu.memory_space<vmem>> -> memref<1x80x128xf32, #tpu.memory_space<vmem>>
      %dma_start3A_219 = tpu.memref_squeeze %dma_start3A_218 : memref<1x80x128xf32, #tpu.memory_space<vmem>> -> memref<80x128xf32, #tpu.memory_space<vmem>>
      %dma_start3A_220 = arith.constant 0 : i32
      %dma_start3A_221 = tpu.memref_slice %arg7[%run_scoped3A_172, %run_scoped3A_173, %dma_start3A_220] : memref<2x1x80xi32, #tpu.memory_space<vmem>> -> memref<1x1x80xi32, #tpu.memory_space<vmem>>
      %dma_start3A_222 = tpu.memref_squeeze %dma_start3A_221 : memref<1x1x80xi32, #tpu.memory_space<vmem>> -> memref<80xi32, #tpu.memory_space<vmem>>
      %dma_start3A_223 = arith.constant 0 : i32
      %dma_start3A_224 = arith.constant 0 : i32
      %dma_start3A_225 = tpu.memref_slice %arg10[%dma_start3A_223, %dma_start3A_224] : memref<10240x128xf32, #tpu.memory_space<vmem_shared>> -> memref<10240x128xf32, #tpu.memory_space<vmem_shared>>
      tpu.enqueue_indirect_dma source(%dma_start3A_219 : memref<80x128xf32, #tpu.memory_space<vmem>>) target(%dma_start3A_225 : memref<10240x128xf32, #tpu.memory_space<vmem_shared>>) offsets(%dma_start3A_222 : memref<80xi32, #tpu.memory_space<vmem>>) semaphore(%run_scoped3A_215 : memref<!tpu.dma_semaphore, #tpu.memory_space<semaphore_mem>>) {add = true}
      %dma_wait3A_226 = arith.constant 0 : i32
      %dma_wait3A_227 = arith.constant 0 : i32
      %dma_wait3A_228 = tpu.memref_slice %arg8[%run_scoped3A_171, %dma_wait3A_226, %dma_wait3A_227] : memref<2x80x128xf32, #tpu.memory_space<vmem>> -> memref<1x80x128xf32, #tpu.memory_space<vmem>>
      %dma_wait3A_229 = tpu.memref_squeeze %dma_wait3A_228 : memref<1x80x128xf32, #tpu.memory_space<vmem>> -> memref<80x128xf32, #tpu.memory_space<vmem>>
      %dma_wait3A_230 = arith.constant 0 : i32
      %dma_wait3A_231 = tpu.memref_slice %arg7[%run_scoped3A_172, %run_scoped3A_173, %dma_wait3A_230] : memref<2x1x80xi32, #tpu.memory_space<vmem>> -> memref<1x1x80xi32, #tpu.memory_space<vmem>>
      %dma_wait3A_232 = tpu.memref_squeeze %dma_wait3A_231 : memref<1x1x80xi32, #tpu.memory_space<vmem>> -> memref<80xi32, #tpu.memory_space<vmem>>
      %dma_wait3A_233 = arith.constant 0 : i32
      %dma_wait3A_234 = arith.constant 0 : i32
      %dma_wait3A_235 = tpu.memref_slice %arg10[%dma_wait3A_233, %dma_wait3A_234] : memref<10240x128xf32, #tpu.memory_space<vmem_shared>> -> memref<10240x128xf32, #tpu.memory_space<vmem_shared>>
      tpu.wait_indirect_dma semaphore(%run_scoped3A_215 : memref<!tpu.dma_semaphore, #tpu.memory_space<semaphore_mem>>) src(%dma_wait3A_229 : memref<80x128xf32, #tpu.memory_space<vmem>>) dst(%dma_wait3A_235 : memref<10240x128xf32, #tpu.memory_space<vmem_shared>>)
      tpu.yield
    }) : () -> ()
    %dma_wait3A_174 = arith.constant 124 : i32
    %dma_wait3A_175 = arith.constant 0 : i32
    %dma_wait3A_176 = arith.constant 0 : i32
    %dma_wait3A_177 = arith.constant 0 : i32
    %dma_wait3A_178 = tpu.memref_slice %arg8[%dma_wait3A_175, %dma_wait3A_176, %dma_wait3A_177] : memref<2x80x128xf32, #tpu.memory_space<vmem>> -> memref<1x80x128xf32, #tpu.memory_space<vmem>>
    %dma_wait3A_179 = tpu.memref_squeeze %dma_wait3A_178 : memref<1x80x128xf32, #tpu.memory_space<vmem>> -> memref<80x128xf32, #tpu.memory_space<vmem>>
    %dma_wait3A_180 = arith.constant 0 : i32
    %dma_wait3A_181 = tpu.memref_slice %arg6[%dma_wait3A_174, %dma_wait3A_180] : memref<125x80xi32, #tpu.memory_space<vmem>> -> memref<1x80xi32, #tpu.memory_space<vmem>>
    %dma_wait3A_182 = tpu.memref_squeeze %dma_wait3A_181 : memref<1x80xi32, #tpu.memory_space<vmem>> -> memref<80xi32, #tpu.memory_space<vmem>>
    %dma_wait3A_183 = arith.constant 0 : i32
    %dma_wait3A_184 = arith.constant 0 : i32
    %dma_wait3A_185 = tpu.memref_slice %arg4[%dma_wait3A_183, %dma_wait3A_184] : memref<10000x128xf32, #tpu.memory_space<hbm>> -> memref<10000x128xf32, #tpu.memory_space<hbm>>
    tpu.wait_indirect_dma semaphore(%arg11 : memref<!tpu.dma_semaphore, #tpu.memory_space<semaphore_mem>>) src(%dma_wait3A_185 : memref<10000x128xf32, #tpu.memory_space<hbm>>) dst(%dma_wait3A_179 : memref<80x128xf32, #tpu.memory_space<vmem>>)
    %dma_wait3A_186 = arith.constant 124 : i32
    %dma_wait3A_187 = arith.constant 0 : i32
    %dma_wait3A_188 = arith.constant 0 : i32
    %dma_wait3A_189 = arith.constant 0 : i32
    %dma_wait3A_190 = tpu.memref_slice %arg7[%dma_wait3A_187, %dma_wait3A_188, %dma_wait3A_189] : memref<2x1x80xi32, #tpu.memory_space<vmem>> -> memref<1x1x80xi32, #tpu.memory_space<vmem>>
    %dma_wait3A_191 = tpu.memref_squeeze %dma_wait3A_190 : memref<1x1x80xi32, #tpu.memory_space<vmem>> -> memref<1x80xi32, #tpu.memory_space<vmem>>
    %dma_wait3A_192 = arith.constant 0 : i32
    %dma_wait3A_193 = arith.constant 0 : i32
    %dma_wait3A_194 = tpu.memref_slice %arg3[%add3A, %dma_wait3A_186, %dma_wait3A_192, %dma_wait3A_193] : memref<32x125x1x80xi32, #tpu.memory_space<hbm>> -> memref<1x1x1x80xi32, #tpu.memory_space<hbm>>
    %dma_wait3A_195 = tpu.memref_squeeze %dma_wait3A_194 : memref<1x1x1x80xi32, #tpu.memory_space<hbm>> -> memref<1x80xi32, #tpu.memory_space<hbm>>
    %dma_wait3A_196 = arith.constant 0 : i32
    %dma_wait3A_197 = arith.constant 0 : i32
    %dma_wait3A_198 = tpu.memref_slice %arg7[%dma_wait3A_187, %dma_wait3A_196, %dma_wait3A_197] : memref<2x1x80xi32, #tpu.memory_space<vmem>> -> memref<1x1x80xi32, #tpu.memory_space<vmem>>
    %dma_wait3A_199 = tpu.memref_squeeze %dma_wait3A_198 : memref<1x1x80xi32, #tpu.memory_space<vmem>> -> memref<1x80xi32, #tpu.memory_space<vmem>>
    %dma_wait3A_200 = arith.constant 0 : i32
    %dma_wait3A_201 = arith.constant 0 : i32
    %dma_wait3A_202 = tpu.memref_slice %arg3[%add3A, %dma_wait3A_186, %dma_wait3A_200, %dma_wait3A_201] : memref<32x125x1x80xi32, #tpu.memory_space<hbm>> -> memref<1x1x1x80xi32, #tpu.memory_space<hbm>>
    %dma_wait3A_203 = tpu.memref_squeeze %dma_wait3A_202 : memref<1x1x1x80xi32, #tpu.memory_space<hbm>> -> memref<1x80xi32, #tpu.memory_space<hbm>>
    tpu.wait_dma2 semaphore(%arg13 : memref<!tpu.dma_semaphore, #tpu.memory_space<semaphore_mem>>) src(%dma_wait3A_203 : memref<1x80xi32, #tpu.memory_space<hbm>>) dst(%dma_wait3A_199 : memref<1x80xi32, #tpu.memory_space<vmem>>)
    %run_scoped3A_204 = arith.constant 0 : i32
    %run_scoped3A_205 = arith.constant 0 : i32
    %run_scoped3A_206 = arith.constant 0 : i32
    "tpu.region"() ({
      %run_scoped3A_215 = tpu.sem_alloc : memref<!tpu.dma_semaphore, #tpu.memory_space<semaphore_mem>>
      %dma_start3A_216 = arith.constant 0 : i32
      %dma_start3A_217 = arith.constant 0 : i32
      %dma_start3A_218 = tpu.memref_slice %arg8[%run_scoped3A_204, %dma_start3A_216, %dma_start3A_217] : memref<2x80x128xf32, #tpu.memory_space<vmem>> -> memref<1x80x128xf32, #tpu.memory_space<vmem>>
      %dma_start3A_219 = tpu.memref_squeeze %dma_start3A_218 : memref<1x80x128xf32, #tpu.memory_space<vmem>> -> memref<80x128xf32, #tpu.memory_space<vmem>>
      %dma_start3A_220 = arith.constant 0 : i32
      %dma_start3A_221 = tpu.memref_slice %arg7[%run_scoped3A_205, %run_scoped3A_206, %dma_start3A_220] : memref<2x1x80xi32, #tpu.memory_space<vmem>> -> memref<1x1x80xi32, #tpu.memory_space<vmem>>
      %dma_start3A_222 = tpu.memref_squeeze %dma_start3A_221 : memref<1x1x80xi32, #tpu.memory_space<vmem>> -> memref<80xi32, #tpu.memory_space<vmem>>
      %dma_start3A_223 = arith.constant 0 : i32
      %dma_start3A_224 = arith.constant 0 : i32
      %dma_start3A_225 = tpu.memref_slice %arg10[%dma_start3A_223, %dma_start3A_224] : memref<10240x128xf32, #tpu.memory_space<vmem_shared>> -> memref<10240x128xf32, #tpu.memory_space<vmem_shared>>
      tpu.enqueue_indirect_dma source(%dma_start3A_219 : memref<80x128xf32, #tpu.memory_space<vmem>>) target(%dma_start3A_225 : memref<10240x128xf32, #tpu.memory_space<vmem_shared>>) offsets(%dma_start3A_222 : memref<80xi32, #tpu.memory_space<vmem>>) semaphore(%run_scoped3A_215 : memref<!tpu.dma_semaphore, #tpu.memory_space<semaphore_mem>>) {add = true}
      %dma_wait3A_226 = arith.constant 0 : i32
      %dma_wait3A_227 = arith.constant 0 : i32
      %dma_wait3A_228 = tpu.memref_slice %arg8[%run_scoped3A_204, %dma_wait3A_226, %dma_wait3A_227] : memref<2x80x128xf32, #tpu.memory_space<vmem>> -> memref<1x80x128xf32, #tpu.memory_space<vmem>>
      %dma_wait3A_229 = tpu.memref_squeeze %dma_wait3A_228 : memref<1x80x128xf32, #tpu.memory_space<vmem>> -> memref<80x128xf32, #tpu.memory_space<vmem>>
      %dma_wait3A_230 = arith.constant 0 : i32
      %dma_wait3A_231 = tpu.memref_slice %arg7[%run_scoped3A_205, %run_scoped3A_206, %dma_wait3A_230] : memref<2x1x80xi32, #tpu.memory_space<vmem>> -> memref<1x1x80xi32, #tpu.memory_space<vmem>>
      %dma_wait3A_232 = tpu.memref_squeeze %dma_wait3A_231 : memref<1x1x80xi32, #tpu.memory_space<vmem>> -> memref<80xi32, #tpu.memory_space<vmem>>
      %dma_wait3A_233 = arith.constant 0 : i32
      %dma_wait3A_234 = arith.constant 0 : i32
      %dma_wait3A_235 = tpu.memref_slice %arg10[%dma_wait3A_233, %dma_wait3A_234] : memref<10240x128xf32, #tpu.memory_space<vmem_shared>> -> memref<10240x128xf32, #tpu.memory_space<vmem_shared>>
      tpu.wait_indirect_dma semaphore(%run_scoped3A_215 : memref<!tpu.dma_semaphore, #tpu.memory_space<semaphore_mem>>) src(%dma_wait3A_229 : memref<80x128xf32, #tpu.memory_space<vmem>>) dst(%dma_wait3A_235 : memref<10240x128xf32, #tpu.memory_space<vmem_shared>>)
      tpu.yield
    }) : () -> ()
    %barrier3A_207 = arith.constant 0 : index
    tpu.barrier barrier_id(%barrier3A_207)
    %scan3A_208 = arith.constant 0 : i32
    %scan3A_209 = arith.constant 0 : i32
    %scan3A_210 = arith.constant 80 : i32
    %scan3A_211 = arith.addi %scan3A_209, %scan3A_210 : i32
    %scan3A_212 = arith.constant 1 : i32
    %scan3A_213 = scf.for %scan3A_215 = %scan3A_209 to %scan3A_211 step %scan3A_212 iter_args(%scan3A_216 = %scan3A_208) -> (i32)  : i32 {
      %mul3A_217 = arith.constant 640 : i32
      %mul3A_218 = arith.muli %arg1, %mul3A_217 : i32
      %mul3A_219 = arith.constant 8 : i32
      %mul3A_220 = arith.muli %scan3A_215, %mul3A_219 : i32
      %add3A_221 = arith.addi %mul3A_218, %mul3A_220 : i32
      "tpu.region"() ({
        %run_scoped3A_228 = tpu.sem_alloc : memref<!tpu.dma_semaphore, #tpu.memory_space<semaphore_mem>>
        %dma_start3A_229 = arith.constant 0 : i32
        %dma_start3A_230 = tpu.memref_slice %arg10[%add3A_221, %dma_start3A_229] : memref<10240x128xf32, #tpu.memory_space<vmem_shared>> -> memref<8x128xf32, #tpu.memory_space<vmem_shared>>
        %dma_start3A_231 = arith.constant 0 : i32
        %dma_start3A_232 = tpu.memref_slice %arg10[%add3A_221, %dma_start3A_231] : memref<10240x128xf32, #tpu.memory_space<vmem_shared>> -> memref<8x128xf32, #tpu.memory_space<vmem_shared>>
        tpu.enqueue_dma source(%dma_start3A_232 : memref<8x128xf32, #tpu.memory_space<vmem_shared>>) target(%arg9 : memref<8x128xf32, #tpu.memory_space<vmem>>) target_semaphore(%run_scoped3A_228 : memref<!tpu.dma_semaphore, #tpu.memory_space<semaphore_mem>>)
        %dma_wait3A_233 = arith.constant 0 : i32
        %dma_wait3A_234 = tpu.memref_slice %arg10[%add3A_221, %dma_wait3A_233] : memref<10240x128xf32, #tpu.memory_space<vmem_shared>> -> memref<8x128xf32, #tpu.memory_space<vmem_shared>>
        %dma_wait3A_235 = arith.constant 0 : i32
        %dma_wait3A_236 = tpu.memref_slice %arg10[%add3A_221, %dma_wait3A_235] : memref<10240x128xf32, #tpu.memory_space<vmem_shared>> -> memref<8x128xf32, #tpu.memory_space<vmem_shared>>
        tpu.wait_dma2 semaphore(%run_scoped3A_228 : memref<!tpu.dma_semaphore, #tpu.memory_space<semaphore_mem>>) src(%dma_wait3A_236 : memref<8x128xf32, #tpu.memory_space<vmem_shared>>) dst(%arg9 : memref<8x128xf32, #tpu.memory_space<vmem>>)
        tpu.yield
      }) : () -> ()
      %mul3A_222 = arith.constant 640 : i32
      %mul3A_223 = arith.muli %arg1, %mul3A_222 : i32
      %mul3A_224 = arith.constant 8 : i32
      %mul3A_225 = arith.muli %scan3A_215, %mul3A_224 : i32
      %add3A_226 = arith.addi %mul3A_223, %mul3A_225 : i32
      "tpu.region"() ({
        %run_scoped3A_228 = tpu.sem_alloc : memref<!tpu.dma_semaphore, #tpu.memory_space<semaphore_mem>>
        %dma_start3A_229 = arith.constant 0 : i32
        %dma_start3A_230 = tpu.memref_slice %arg5[%arg0, %add3A_226, %dma_start3A_229] : memref<2x10240x128xf32, #tpu.memory_space<hbm>> -> memref<1x8x128xf32, #tpu.memory_space<hbm>>
        %dma_start3A_231 = tpu.memref_squeeze %dma_start3A_230 : memref<1x8x128xf32, #tpu.memory_space<hbm>> -> memref<8x128xf32, #tpu.memory_space<hbm>>
        %dma_start3A_232 = arith.constant 0 : i32
        %dma_start3A_233 = tpu.memref_slice %arg5[%arg0, %add3A_226, %dma_start3A_232] : memref<2x10240x128xf32, #tpu.memory_space<hbm>> -> memref<1x8x128xf32, #tpu.memory_space<hbm>>
        %dma_start3A_234 = tpu.memref_squeeze %dma_start3A_233 : memref<1x8x128xf32, #tpu.memory_space<hbm>> -> memref<8x128xf32, #tpu.memory_space<hbm>>
        tpu.enqueue_dma source(%arg9 : memref<8x128xf32, #tpu.memory_space<vmem>>) target(%dma_start3A_234 : memref<8x128xf32, #tpu.memory_space<hbm>>) target_semaphore(%run_scoped3A_228 : memref<!tpu.dma_semaphore, #tpu.memory_space<semaphore_mem>>)
        %dma_wait3A_235 = arith.constant 0 : i32
        %dma_wait3A_236 = tpu.memref_slice %arg5[%arg0, %add3A_226, %dma_wait3A_235] : memref<2x10240x128xf32, #tpu.memory_space<hbm>> -> memref<1x8x128xf32, #tpu.memory_space<hbm>>
        %dma_wait3A_237 = tpu.memref_squeeze %dma_wait3A_236 : memref<1x8x128xf32, #tpu.memory_space<hbm>> -> memref<8x128xf32, #tpu.memory_space<hbm>>
        %dma_wait3A_238 = arith.constant 0 : i32
        %dma_wait3A_239 = tpu.memref_slice %arg5[%arg0, %add3A_226, %dma_wait3A_238] : memref<2x10240x128xf32, #tpu.memory_space<hbm>> -> memref<1x8x128xf32, #tpu.memory_space<hbm>>
        %dma_wait3A_240 = tpu.memref_squeeze %dma_wait3A_239 : memref<1x8x128xf32, #tpu.memory_space<hbm>> -> memref<8x128xf32, #tpu.memory_space<hbm>>
        tpu.wait_dma2 semaphore(%run_scoped3A_228 : memref<!tpu.dma_semaphore, #tpu.memory_space<semaphore_mem>>) src(%arg9 : memref<8x128xf32, #tpu.memory_space<vmem>>) dst(%dma_wait3A_240 : memref<8x128xf32, #tpu.memory_space<hbm>>)
        tpu.yield
      }) : () -> ()
      %scan3A_227 = arith.constant 0 : i32
      scf.yield %scan3A_227 : i32
    }
    %scan3A_214 = arith.constant 80 : i32
    return
  }
}

module attributes {stable_mosaic.version = 14 : i64} {
  func.func @_tc1_body(%arg0: i32, %arg1: memref<1000x128xf32, #tpu.memory_space<vmem>>, %arg2: memref<128x128xf32, #tpu.memory_space<vmem>>, %arg3: memref<1x128xf32, #tpu.memory_space<vmem>>, %arg4: memref<1000x128xf32, #tpu.memory_space<vmem>>) attributes {dimension_semantics = [#tpu.dimension_semantics<arbitrary>], iteration_bounds = array<i64: 10>, scalar_prefetch = 0 : i64, scratch_operands = 0 : i64, tpu.core_type = #tpu.core_type<tc>, window_params = [{transform_indices = @transform_0, window_bounds = array<i64: 1000, 128>}, {pipeline_mode = #tpu.pipeline_mode<synchronous>, transform_indices = @transform_1, window_bounds = array<i64: 128, 128>}, {pipeline_mode = #tpu.pipeline_mode<synchronous>, transform_indices = @transform_2, window_bounds = array<i64: 1, 128>}, {transform_indices = @transform_3, window_bounds = array<i64: 1000, 128>}]} {
    %get3A = arith.constant 0 : index
    %get3A_0 = arith.constant 0 : index
    %get3A_1 = vector.load %arg1[%get3A, %get3A_0] : memref<1000x128xf32, #tpu.memory_space<vmem>>, vector<1000x128xf32>
    %get3A_2 = arith.constant 0 : index
    %get3A_3 = arith.constant 0 : index
    %get3A_4 = vector.load %arg2[%get3A_2, %get3A_3] : memref<128x128xf32, #tpu.memory_space<vmem>>, vector<128x128xf32>
    %dot_general3A = arith.constant dense<0.000000e+00> : vector<1000x128xf32>
    %dot_general3A_5 = tpu.matmul %get3A_1, %get3A_4, %dot_general3A {dimension_numbers = #tpu.dot_dimension_numbers<[1], [0], [0], [1], [0, 0, 1, 1], [], []>, transpose_lhs_hint = false} : vector<1000x128xf32>, vector<128x128xf32>, vector<1000x128xf32> -> vector<1000x128xf32>
    %get3A_6 = arith.constant 0 : index
    %get3A_7 = arith.constant 0 : index
    %get3A_8 = vector.load %arg3[%get3A_6, %get3A_7] : memref<1x128xf32, #tpu.memory_space<vmem>>, vector<1x128xf32>
    %add3A = vector.broadcast %get3A_8 : vector<1x128xf32> to vector<1000x128xf32>
    %add3A_9 = arith.addf %dot_general3A_5, %add3A : vector<1000x128xf32>
    %max3A = arith.constant 0.000000e+00 : f32
    %max3A_10 = vector.broadcast %max3A : f32 to vector<1000x128xf32>
    %max3A_11 = arith.maximumf %add3A_9, %max3A_10 : vector<1000x128xf32>
    %swap3A = arith.constant 0 : index
    %swap3A_12 = arith.constant 0 : index
    %swap3A_13 = vector.load %arg4[%swap3A, %swap3A_12] : memref<1000x128xf32, #tpu.memory_space<vmem>>, vector<1000x128xf32>
    tpu.vector_store %arg4[%swap3A, %swap3A_12], %max3A_11 {strides = array<i32>} : memref<1000x128xf32, #tpu.memory_space<vmem>>, vector<1000x128xf32>,
    return
  }
  func.func @transform_0(%arg0: i32) -> (i32, i32) {
    %c0_i32 = arith.constant 0 : i32
    %c0_i32_0 = arith.constant 0 : i32
    return %arg0, %c0_i32 : i32, i32
  }
  func.func @transform_1(%arg0: i32) -> (i32, i32) {
    %c0_i32 = arith.constant 0 : i32
    %c0_i32_0 = arith.constant 0 : i32
    %c0_i32_1 = arith.constant 0 : i32
    return %c0_i32, %c0_i32_0 : i32, i32
  }
  func.func @transform_2(%arg0: i32) -> (i32, i32) {
    %c0_i32 = arith.constant 0 : i32
    %c0_i32_0 = arith.constant 0 : i32
    %c0_i32_1 = arith.constant 0 : i32
    return %c0_i32, %c0_i32_0 : i32, i32
  }
  func.func @transform_3(%arg0: i32) -> (i32, i32) {
    %c0_i32 = arith.constant 0 : i32
    %c0_i32_0 = arith.constant 0 : i32
    return %arg0, %c0_i32 : i32, i32
  }
}

module attributes {stable_mosaic.version = 14 : i64} {
  func.func @_tc2_body(%arg0: i32, %arg1: memref<2x1000x128xf32, #tpu.memory_space<vmem>>, %arg2: memref<1000x128xf32, #tpu.memory_space<vmem>>, %arg3: memref<1000x128xf32, #tpu.memory_space<vmem>>) attributes {dimension_semantics = [#tpu.dimension_semantics<arbitrary>], iteration_bounds = array<i64: 10>, scalar_prefetch = 0 : i64, scratch_operands = 0 : i64, tpu.core_type = #tpu.core_type<tc>, window_params = [{transform_indices = @transform_0, window_bounds = array<i64: 2, 1000, 128>}, {transform_indices = @transform_1, window_bounds = array<i64: 1000, 128>}, {transform_indices = @transform_2, window_bounds = array<i64: 1000, 128>}]} {
    %get3A = arith.constant 0 : index
    %get3A_0 = arith.constant 0 : index
    %get3A_1 = arith.constant 0 : index
    %get3A_2 = vector.load %arg1[%get3A, %get3A_0, %get3A_1] : memref<2x1000x128xf32, #tpu.memory_space<vmem>>, vector<1x1000x1xf32>
    %get3A_3 = vector.shape_cast %get3A_2 : vector<1x1000x1xf32> to vector<1000x1xf32>
    %get3A_4 = arith.constant 1 : index
    %get3A_5 = arith.constant 0 : index
    %get3A_6 = arith.constant 0 : index
    %get3A_7 = vector.load %arg1[%get3A_4, %get3A_5, %get3A_6] : memref<2x1000x128xf32, #tpu.memory_space<vmem>>, vector<1x1000x1xf32>
    %get3A_8 = vector.shape_cast %get3A_7 : vector<1x1000x1xf32> to vector<1000x1xf32>
    %add3A = arith.addf %get3A_3, %get3A_8 : vector<1000x1xf32>
    %gt3A = arith.constant 0.000000e+00 : f32
    %gt3A_9 = vector.broadcast %gt3A : f32 to vector<1000x1xf32>
    %gt3A_10 = arith.cmpf ogt, %add3A, %gt3A_9 : vector<1000x1xf32>
    %gt3A_11 = arith.constant 0.000000e+00 : f32
    %gt3A_12 = vector.broadcast %gt3A_11 : f32 to vector<1000x1xf32>
    %gt3A_13 = arith.cmpf ogt, %add3A, %gt3A_12 : vector<1000x1xf32>
    %jit3A = arith.constant 1.000000e+00 : f32
    %broadcast_in_dim3A = vector.broadcast %jit3A : f32 to vector<1000x1xf32>
    %select_n3A = arith.select %gt3A_13, %add3A, %broadcast_in_dim3A : vector<1000x1xi1>, vector<1000x1xf32>
    %rsqrt3A = math.rsqrt %select_n3A : vector<1000x1xf32>
    %jit3A_14 = arith.constant 0.000000e+00 : f32
    %broadcast_in_dim3A_15 = vector.broadcast %jit3A_14 : f32 to vector<1000x1xf32>
    %select_n3A_16 = arith.select %gt3A_10, %rsqrt3A, %broadcast_in_dim3A_15 : vector<1000x1xi1>, vector<1000x1xf32>
    %get3A_17 = arith.constant 0 : index
    %get3A_18 = arith.constant 0 : index
    %get3A_19 = vector.load %arg2[%get3A_17, %get3A_18] : memref<1000x128xf32, #tpu.memory_space<vmem>>, vector<1000x128xf32>
    %mul3A = vector.broadcast %select_n3A_16 : vector<1000x1xf32> to vector<1000x128xf32>
    %mul3A_20 = arith.mulf %mul3A, %get3A_19 : vector<1000x128xf32>
    %swap3A = arith.constant 0 : index
    %swap3A_21 = arith.constant 0 : index
    %swap3A_22 = vector.load %arg3[%swap3A, %swap3A_21] : memref<1000x128xf32, #tpu.memory_space<vmem>>, vector<1000x128xf32>
    tpu.vector_store %arg3[%swap3A, %swap3A_21], %mul3A_20 {strides = array<i32>} : memref<1000x128xf32, #tpu.memory_space<vmem>>, vector<1000x128xf32>,
    return
  }
  func.func @transform_0(%arg0: i32) -> (i32, i32, i32) {
    %c0_i32 = arith.constant 0 : i32
    %c0_i32_0 = arith.constant 0 : i32
    %c0_i32_1 = arith.constant 0 : i32
    return %c0_i32, %arg0, %c0_i32_0 : i32, i32, i32
  }
  func.func @transform_1(%arg0: i32) -> (i32, i32) {
    %c0_i32 = arith.constant 0 : i32
    %c0_i32_0 = arith.constant 0 : i32
    return %arg0, %c0_i32 : i32, i32
  }
  func.func @transform_2(%arg0: i32) -> (i32, i32) {
    %c0_i32 = arith.constant 0 : i32
    %c0_i32_0 = arith.constant 0 : i32
    return %arg0, %c0_i32 : i32, i32
  }
}

module attributes {stable_mosaic.version = 14 : i64} {
  func.func @_tc3_body(%arg0: i32, %arg1: memref<1000x128xf32, #tpu.memory_space<vmem>>, %arg2: memref<2x1000x128xf32, #tpu.memory_space<vmem>>, %arg3: memref<2x1000x128xf32, #tpu.memory_space<vmem>>, %arg4: memref<1000x1xf32, #tpu.memory_space<vmem>>, %arg5: memref<128x128xf32, #tpu.memory_space<vmem>>, %arg6: memref<128x128xf32, #tpu.memory_space<vmem>>, %arg7: memref<1x128xf32, #tpu.memory_space<vmem>>, %arg8: memref<1000x128xf32, #tpu.memory_space<vmem>>, %arg9: memref<64x128xf32, #tpu.memory_space<vmem>>) attributes {dimension_semantics = [#tpu.dimension_semantics<arbitrary>], iteration_bounds = array<i64: 10>, scalar_prefetch = 0 : i64, scratch_operands = 0 : i64, tpu.core_type = #tpu.core_type<tc>, window_params = [{transform_indices = @transform_0, window_bounds = array<i64: 1000, 128>}, {transform_indices = @transform_1, window_bounds = array<i64: 2, 1000, 128>}, {transform_indices = @transform_2, window_bounds = array<i64: 2, 1000, 128>}, {transform_indices = @transform_3, window_bounds = array<i64: 1000, 1>}, {pipeline_mode = #tpu.pipeline_mode<synchronous>, transform_indices = @transform_4, window_bounds = array<i64: 128, 128>}, {pipeline_mode = #tpu.pipeline_mode<synchronous>, transform_indices = @transform_5, window_bounds = array<i64: 128, 128>}, {pipeline_mode = #tpu.pipeline_mode<synchronous>, transform_indices = @transform_6, window_bounds = array<i64: 1, 128>}, {transform_indices = @transform_7, window_bounds = array<i64: 1000, 128>}, {pipeline_mode = #tpu.pipeline_mode<synchronous>, transform_indices = @transform_8, window_bounds = array<i64: 64, 128>}]} {
    %get3A = arith.constant 0 : index
    %get3A_0 = arith.constant 0 : index
    %get3A_1 = arith.constant 0 : index
    %get3A_2 = vector.load %arg2[%get3A, %get3A_0, %get3A_1] : memref<2x1000x128xf32, #tpu.memory_space<vmem>>, vector<1x1000x128xf32>
    %get3A_3 = vector.shape_cast %get3A_2 : vector<1x1000x128xf32> to vector<1000x128xf32>
    %get3A_4 = arith.constant 1 : index
    %get3A_5 = arith.constant 0 : index
    %get3A_6 = arith.constant 0 : index
    %get3A_7 = vector.load %arg2[%get3A_4, %get3A_5, %get3A_6] : memref<2x1000x128xf32, #tpu.memory_space<vmem>>, vector<1x1000x128xf32>
    %get3A_8 = vector.shape_cast %get3A_7 : vector<1x1000x128xf32> to vector<1000x128xf32>
    %add3A = arith.addf %get3A_3, %get3A_8 : vector<1000x128xf32>
    %get3A_9 = arith.constant 0 : index
    %get3A_10 = arith.constant 0 : index
    %get3A_11 = arith.constant 0 : index
    %get3A_12 = vector.load %arg3[%get3A_9, %get3A_10, %get3A_11] : memref<2x1000x128xf32, #tpu.memory_space<vmem>>, vector<1x1000x1xf32>
    %get3A_13 = vector.shape_cast %get3A_12 : vector<1x1000x1xf32> to vector<1000x1xf32>
    %get3A_14 = arith.constant 1 : index
    %get3A_15 = arith.constant 0 : index
    %get3A_16 = arith.constant 0 : index
    %get3A_17 = vector.load %arg3[%get3A_14, %get3A_15, %get3A_16] : memref<2x1000x128xf32, #tpu.memory_space<vmem>>, vector<1x1000x1xf32>
    %get3A_18 = vector.shape_cast %get3A_17 : vector<1x1000x1xf32> to vector<1000x1xf32>
    %add3A_19 = arith.addf %get3A_13, %get3A_18 : vector<1000x1xf32>
    %gt3A = arith.constant 0.000000e+00 : f32
    %gt3A_20 = vector.broadcast %gt3A : f32 to vector<1000x1xf32>
    %gt3A_21 = arith.cmpf ogt, %add3A_19, %gt3A_20 : vector<1000x1xf32>
    %gt3A_22 = arith.constant 0.000000e+00 : f32
    %gt3A_23 = vector.broadcast %gt3A_22 : f32 to vector<1000x1xf32>
    %gt3A_24 = arith.cmpf ogt, %add3A_19, %gt3A_23 : vector<1000x1xf32>
    %jit3A = arith.constant 1.000000e+00 : f32
    %broadcast_in_dim3A = vector.broadcast %jit3A : f32 to vector<1000x1xf32>
    %select_n3A = arith.select %gt3A_24, %add3A_19, %broadcast_in_dim3A : vector<1000x1xi1>, vector<1000x1xf32>
    %rsqrt3A = math.rsqrt %select_n3A : vector<1000x1xf32>
    %jit3A_25 = arith.constant 0.000000e+00 : f32
    %broadcast_in_dim3A_26 = vector.broadcast %jit3A_25 : f32 to vector<1000x1xf32>
    %select_n3A_27 = arith.select %gt3A_21, %rsqrt3A, %broadcast_in_dim3A_26 : vector<1000x1xi1>, vector<1000x1xf32>
    %mul3A = vector.broadcast %select_n3A_27 : vector<1000x1xf32> to vector<1000x128xf32>
    %mul3A_28 = arith.mulf %mul3A, %add3A : vector<1000x128xf32>
    %neg3A = arith.constant 0.000000e+00 : f32
    %neg3A_29 = vector.broadcast %neg3A : f32 to vector<1000x128xf32>
    %neg3A_30 = arith.subf %neg3A_29, %mul3A_28 : vector<1000x128xf32>
    %get3A_31 = arith.constant 0 : index
    %get3A_32 = arith.constant 0 : index
    %get3A_33 = vector.load %arg1[%get3A_31, %get3A_32] : memref<1000x128xf32, #tpu.memory_space<vmem>>, vector<1000x128xf32>
    %get3A_34 = arith.constant 0 : index
    %get3A_35 = arith.constant 0 : index
    %get3A_36 = vector.load %arg5[%get3A_34, %get3A_35] : memref<128x128xf32, #tpu.memory_space<vmem>>, vector<128x128xf32>
    %dot_general3A = arith.constant dense<0.000000e+00> : vector<1000x128xf32>
    %dot_general3A_37 = tpu.matmul %get3A_33, %get3A_36, %dot_general3A {dimension_numbers = #tpu.dot_dimension_numbers<[1], [0], [0], [1], [0, 0, 1, 1], [], []>, transpose_lhs_hint = false} : vector<1000x128xf32>, vector<128x128xf32>, vector<1000x128xf32> -> vector<1000x128xf32>
    %get3A_38 = arith.constant 0 : index
    %get3A_39 = arith.constant 0 : index
    %get3A_40 = vector.load %arg6[%get3A_38, %get3A_39] : memref<128x128xf32, #tpu.memory_space<vmem>>, vector<128x128xf32>
    %dot_general3A_41 = arith.constant dense<0.000000e+00> : vector<1000x128xf32>
    %dot_general3A_42 = tpu.matmul %neg3A_30, %get3A_40, %dot_general3A_41 {dimension_numbers = #tpu.dot_dimension_numbers<[1], [0], [0], [1], [0, 0, 1, 1], [], []>, transpose_lhs_hint = false} : vector<1000x128xf32>, vector<128x128xf32>, vector<1000x128xf32> -> vector<1000x128xf32>
    %add3A_43 = arith.addf %dot_general3A_37, %dot_general3A_42 : vector<1000x128xf32>
    %get3A_44 = arith.constant 0 : index
    %get3A_45 = arith.constant 0 : index
    %get3A_46 = vector.load %arg7[%get3A_44, %get3A_45] : memref<1x128xf32, #tpu.memory_space<vmem>>, vector<1x128xf32>
    %add3A_47 = vector.broadcast %get3A_46 : vector<1x128xf32> to vector<1000x128xf32>
    %add3A_48 = arith.addf %add3A_43, %add3A_47 : vector<1000x128xf32>
    %max3A = arith.constant 0.000000e+00 : f32
    %max3A_49 = vector.broadcast %max3A : f32 to vector<1000x128xf32>
    %max3A_50 = arith.maximumf %add3A_48, %max3A_49 : vector<1000x128xf32>
    %swap3A = arith.constant 0 : index
    %swap3A_51 = arith.constant 0 : index
    %swap3A_52 = vector.load %arg8[%swap3A, %swap3A_51] : memref<1000x128xf32, #tpu.memory_space<vmem>>, vector<1000x128xf32>
    tpu.vector_store %arg8[%swap3A, %swap3A_51], %max3A_50 {strides = array<i32>} : memref<1000x128xf32, #tpu.memory_space<vmem>>, vector<1000x128xf32>,
    %iota3A = tpu.iota {dimensions = array<i32: 1>} : vector<1000x64xi32>
    %convert_element_type3A = arith.sitofp %iota3A : vector<1000x64xi32> to vector<1000x64xf32>
    %get3A_53 = arith.constant 0 : index
    %get3A_54 = arith.constant 0 : index
    %get3A_55 = vector.load %arg4[%get3A_53, %get3A_54] : memref<1000x1xf32, #tpu.memory_space<vmem>>, vector<1000x1xf32>
    %eq3A = vector.broadcast %get3A_55 : vector<1000x1xf32> to vector<1000x64xf32>
    %eq3A_56 = arith.cmpf oeq, %eq3A, %convert_element_type3A : vector<1000x64xf32>
    %jit3A_57 = arith.constant 1.000000e+00 : f32
    %jit3A_58 = arith.constant 0.000000e+00 : f32
    %broadcast_in_dim3A_59 = vector.broadcast %jit3A_57 : f32 to vector<1000x64xf32>
    %broadcast_in_dim3A_60 = vector.broadcast %jit3A_58 : f32 to vector<1000x64xf32>
    %select_n3A_61 = arith.select %eq3A_56, %broadcast_in_dim3A_59, %broadcast_in_dim3A_60 : vector<1000x64xi1>, vector<1000x64xf32>
    %dot_general3A_62 = arith.constant dense<0.000000e+00> : vector<64x128xf32>
    %dot_general3A_63 = tpu.matmul %select_n3A_61, %max3A_50, %dot_general3A_62 {dimension_numbers = #tpu.dot_dimension_numbers<[0], [0], [1], [1], [0, 1, 1, 1], [], []>, transpose_lhs_hint = false} : vector<1000x64xf32>, vector<1000x128xf32>, vector<64x128xf32> -> vector<64x128xf32>
    %eq3A_64 = arith.constant 0 : i32
    %eq3A_65 = arith.cmpi eq, %arg0, %eq3A_64 : i32
    %convert_element_type3A_66 = arith.extui %eq3A_65 : i1 to i32
    %cond3A = arith.constant 0 : i32
    %cond3A_67 = arith.cmpi ne, %convert_element_type3A_66, %cond3A : i32
    scf.if %cond3A_67 {
      %swap3A_73 = arith.constant 0 : index
      %swap3A_74 = arith.constant 0 : index
      %swap3A_75 = vector.load %arg9[%swap3A_73, %swap3A_74] : memref<64x128xf32, #tpu.memory_space<vmem>>, vector<64x128xf32>
      tpu.vector_store %arg9[%swap3A_73, %swap3A_74], %dot_general3A_63 {strides = array<i32>} : memref<64x128xf32, #tpu.memory_space<vmem>>, vector<64x128xf32>,
    } else {
    }
    %gt3A_68 = arith.constant 0 : i32
    %gt3A_69 = arith.cmpi sgt, %arg0, %gt3A_68 : i32
    %convert_element_type3A_70 = arith.extui %gt3A_69 : i1 to i32
    %cond3A_71 = arith.constant 0 : i32
    %cond3A_72 = arith.cmpi ne, %convert_element_type3A_70, %cond3A_71 : i32
    scf.if %cond3A_72 {
      %get3A_73 = arith.constant 0 : index
      %get3A_74 = arith.constant 0 : index
      %get3A_75 = vector.load %arg9[%get3A_73, %get3A_74] : memref<64x128xf32, #tpu.memory_space<vmem>>, vector<64x128xf32>
      %add3A_76 = arith.addf %get3A_75, %dot_general3A_63 : vector<64x128xf32>
      %swap3A_77 = arith.constant 0 : index
      %swap3A_78 = arith.constant 0 : index
      %swap3A_79 = vector.load %arg9[%swap3A_77, %swap3A_78] : memref<64x128xf32, #tpu.memory_space<vmem>>, vector<64x128xf32>
      tpu.vector_store %arg9[%swap3A_77, %swap3A_78], %add3A_76 {strides = array<i32>} : memref<64x128xf32, #tpu.memory_space<vmem>>, vector<64x128xf32>,
    } else {
    }
    return
  }
  func.func @transform_0(%arg0: i32) -> (i32, i32) {
    %c0_i32 = arith.constant 0 : i32
    %c0_i32_0 = arith.constant 0 : i32
    return %arg0, %c0_i32 : i32, i32
  }
  func.func @transform_1(%arg0: i32) -> (i32, i32, i32) {
    %c0_i32 = arith.constant 0 : i32
    %c0_i32_0 = arith.constant 0 : i32
    %c0_i32_1 = arith.constant 0 : i32
    return %c0_i32, %arg0, %c0_i32_0 : i32, i32, i32
  }
  func.func @transform_2(%arg0: i32) -> (i32, i32, i32) {
    %c0_i32 = arith.constant 0 : i32
    %c0_i32_0 = arith.constant 0 : i32
    %c0_i32_1 = arith.constant 0 : i32
    return %c0_i32, %arg0, %c0_i32_0 : i32, i32, i32
  }
  func.func @transform_3(%arg0: i32) -> (i32, i32) {
    %c0_i32 = arith.constant 0 : i32
    %c0_i32_0 = arith.constant 0 : i32
    return %arg0, %c0_i32 : i32, i32
  }
  func.func @transform_4(%arg0: i32) -> (i32, i32) {
    %c0_i32 = arith.constant 0 : i32
    %c0_i32_0 = arith.constant 0 : i32
    %c0_i32_1 = arith.constant 0 : i32
    return %c0_i32, %c0_i32_0 : i32, i32
  }
  func.func @transform_5(%arg0: i32) -> (i32, i32) {
    %c0_i32 = arith.constant 0 : i32
    %c0_i32_0 = arith.constant 0 : i32
    %c0_i32_1 = arith.constant 0 : i32
    return %c0_i32, %c0_i32_0 : i32, i32
  }
  func.func @transform_6(%arg0: i32) -> (i32, i32) {
    %c0_i32 = arith.constant 0 : i32
    %c0_i32_0 = arith.constant 0 : i32
    %c0_i32_1 = arith.constant 0 : i32
    return %c0_i32, %c0_i32_0 : i32, i32
  }
  func.func @transform_7(%arg0: i32) -> (i32, i32) {
    %c0_i32 = arith.constant 0 : i32
    %c0_i32_0 = arith.constant 0 : i32
    return %arg0, %c0_i32 : i32, i32
  }
  func.func @transform_8(%arg0: i32) -> (i32, i32) {
    %c0_i32 = arith.constant 0 : i32
    %c0_i32_0 = arith.constant 0 : i32
    %c0_i32_1 = arith.constant 0 : i32
    return %c0_i32, %c0_i32_0 : i32, i32
  }
}

</mosaic_0001>

<sc_bundles>
// kernel: kernel.10.cloned.1.call-start
scs
__scs_entry_jumppad:
0x0: {  	(pc) =	sbr.rel $0x88, $3  }
0x1: {  	(tag) =	ssettag $0x0;
	lr =	simm.s32 $0x1  }
0x2: {  	[smem:$0x3F99] =	sst lr;
	_ =	strace $0xD0000000  }
0x3: {  	_ = 	snop  }
0x4: {  	_ = 	snop  }
0x5: {  	_ = 	snop  }
0x6: {  	_ = 	snop  }
0x7: {  	_ = 	snop  }
__scs_overlays_trampoline_lowered:
0x8: {  	[smem:$0x3FA8] =	sst s0  }
0x9: {  	[smem:$0x3FA9] =	sst s1  }
0xa: {  	[smem:$0x3FAA] =	sst s2  }
0xb: {  	[smem:$0x3FAB] =	sst s3  }
0xc: {  	[smem:$0x3FAC] =	sst s4  }
0xd: {  	[smem:$0x3FAD] =	sst s5  }
0xe: {  	[smem:$0x3FAE] =	sst s6  }
0xf: {  	[smem:$0x3FAF] =	sst s7  }
0x10: {  	[smem:$0x3FB0] =	sst s8  }
0x11: {  	[smem:$0x3FB1] =	sst s9;
	s0 =	simm.s32 @!p0 $0x0  }
0x12: {  	s1 =	sld [smem:$0x3F97];
	s0 =	simm.s32 @p0 $0x1  }
0x13: {  	[smem:$0x3FB2] =	sst s0;
	s0 =	simm.s32 @!p1 $0x0  }
0x14: {  	s2 =	sld [smem:$0x3F96];
	s0 =	simm.s32 @p1 $0x1  }
0x15: {  	[smem:$0x3FB3] =	sst s0;
	s0 =	simm.s32 @!p2 $0x0  }
0x16: {  	s3 =	sld [smem:$0x3FDB];
	s0 =	simm.s32 @p2 $0x1  }
0x17: {  	s4 =	simm.s32 $0x1BF5;
	[smem:$0x3FB5] =	sst s0  }
0x18: {  	s0 =	sld [smem:$0x3F98];
	_ =	swait.ge [sflag:s4], $0x0  }
0x19: {  	s7 =	sld [smem:$0x3F99]  }
0x1a: {  	s8 =	sadd.s32 $0xFFFFE003, lr  }
0x1b: {  	s9 =	sadd.s32 $0xFFFFFEF7, lr;
	s5 =	simm.s32 $0xFFFFFFFF;
	p2 =	slt.u32 s8, $0xFFFFF086  }
0x1c: {  	p1 =	slt.u32 s9, $0xF7A;
	s5 =	simm.s32 @!p2 $0x0  }
0x1d: {  	s5 =	simm.s32 @p1 $0x1;
	p0 =	seq.s32 s7, s2  }
0x1e: {  	s7 =	smul.u32 @!p0 $0xF7A, s2;
	p2 =	seq.s32 @!p0 s5, $0x0  }
0x1f: {  	s9 =	smul.u32 $0xF7A, s1;
	s8 =	simm.s32 @!p0 $0x1BF5;
	p2 =	por !p2, p0  }
0x20: {  	[sflag:s8] =	ssyncset.s32 @!p0 $0xFFFFF086;
	s6 =	sadd.s32 @!p0 s3, s7;
	s7 =	simm.s32 @!p0 $0x108  }
0x21: {  	s3 =	sadd.s32 s3, s9;
	s6 =	sadd.s32 @!p0 $0x88, s6;
	s7 =	simm.s32 @p2 $0x1082  }
0x22: {  	[simem:s7], [sflag:s8] =	dma.local @!p0 [hbm:s6], $0xF7A  }
0x23: {  	s9 =	sor.u32 $0xD0000000, s2;
	s6 =	simm.s32 $0x108;
	_ =	swait.ge @!p0 [sflag:s8], $0x0  }
0x24: {  	s3 =	sadd.s32 $0x88, s3;
	s6 =	simm.s32 @!p1 $0x1082;
	[sflag:s4] =	ssyncset.s32 $0xFFFFF086  }
0x25: {  	[simem:s6], [sflag:s4] =	dma.local [hbm:s3], $0xF7A  }
0x26: {  	[smem:$0x3F99] =	sst s1;
	(tag) =	ssettag s2;
	_ =	strace s9  }
0x27: {  	s1 =	sld [smem:$0x3FA9]  }
0x28: {  	s2 =	sld [smem:$0x3FAA]  }
0x29: {  	s4 =	sld [smem:$0x3FAC]  }
0x2a: {  	p0 =	seq.s32 s5, $0x0;
	s5 =	sld [smem:$0x3FAD]  }
0x2b: {  	s6 =	sld [smem:$0x3FAE]  }
0x2c: {  	s7 =	sld [smem:$0x3FAF]  }
0x2d: {  	s3 =	simm.s32 $0x108;
	s8 =	sld [smem:$0x3FB0]  }
0x2e: {  	s3 =	simm.s32 @!p0 $0x1082;
	s9 =	sld [smem:$0x3FB1]  }
0x2f: {  	lr =	sadd.s32 s0, s3;
	s0 =	sld [smem:$0x3FA8]  }
0x30: {  	s3 =	sld [smem:$0x3FAB]  }
0x31: {  	[smem:$0x3FB4] =	sst s10  }
0x32: {  	s10 =	sld [smem:$0x3FB2];
	_ =	sdelay $0x3  }
0x33: {  	p0 =	seq.s32 s10, $0x1;
	s10 =	sld [smem:$0x3FB4];
	_ =	sdelay $0x3  }
0x34: {  	[smem:$0x3FB4] =	sst s10  }
0x35: {  	s10 =	sld [smem:$0x3FB3];
	_ =	sdelay $0x3  }
0x36: {  	p1 =	seq.s32 s10, $0x1;
	s10 =	sld [smem:$0x3FB4];
	_ =	sdelay $0x3  }
0x37: {  	[smem:$0x3FB4] =	sst s10  }
0x38: {  	s10 =	sld [smem:$0x3FB5]  }
0x39: {  	_ = 	snop;
	(pc) =	sbr.ind lr, $3  }
0x3a: {  	_ = 	snop  }
0x3b: {  	_ = 	snop  }
0x3c: {  	p2 =	seq.s32 s10, $0x1;
	s10 =	sld [smem:$0x3FB4]  }
0x3d: {  	_ =	shalt  }
0x3e: {  	_ =	shalt  }
0x3f: {  	_ =	shalt  }
0x40: {  	_ =	shalt  }
0x41: {  	_ =	shalt  }
0x42: {  	_ =	shalt  }
0x43: {  	_ =	shalt  }
0x44: {  	_ =	shalt  }
0x45: {  	_ =	shalt  }
0x46: {  	_ =	shalt  }
0x47: {  	_ =	shalt  }
0x48: {  	_ =	shalt  }
0x49: {  	_ =	shalt  }
0x4a: {  	_ =	shalt  }
0x4b: {  	_ =	shalt  }
0x4c: {  	_ =	shalt  }
0x4d: {  	_ =	shalt  }
0x4e: {  	_ =	shalt  }
0x4f: {  	_ =	shalt  }
0x50: {  	_ =	shalt  }
0x51: {  	_ =	shalt  }
0x52: {  	_ =	shalt  }
0x53: {  	_ =	shalt  }
0x54: {  	_ =	shalt  }
0x55: {  	_ =	shalt  }
0x56: {  	_ =	shalt  }
0x57: {  	_ =	shalt  }
0x58: {  	_ =	shalt  }
0x59: {  	_ =	shalt  }
0x5a: {  	_ =	shalt  }
0x5b: {  	_ =	shalt  }
0x5c: {  	_ =	shalt  }
0x5d: {  	_ =	shalt  }
0x5e: {  	_ =	shalt  }
0x5f: {  	_ =	shalt  }
0x60: {  	_ =	shalt  }
0x61: {  	_ =	shalt  }
0x62: {  	_ =	shalt  }
0x63: {  	_ =	shalt  }
0x64: {  	_ =	shalt  }
0x65: {  	_ =	shalt  }
0x66: {  	_ =	shalt  }
0x67: {  	_ =	shalt  }
0x68: {  	_ =	shalt  }
0x69: {  	_ =	shalt  }
0x6a: {  	_ =	shalt  }
0x6b: {  	_ =	shalt  }
0x6c: {  	_ =	shalt  }
0x6d: {  	_ =	shalt  }
0x6e: {  	_ =	shalt  }
0x6f: {  	_ =	shalt  }
0x70: {  	_ =	shalt  }
0x71: {  	_ =	shalt  }
0x72: {  	_ =	shalt  }
0x73: {  	_ =	shalt  }
0x74: {  	_ =	shalt  }
0x75: {  	_ =	shalt  }
0x76: {  	_ =	shalt  }
0x77: {  	_ =	shalt  }
0x78: {  	_ =	shalt  }
0x79: {  	_ =	shalt  }
0x7a: {  	_ =	shalt  }
0x7b: {  	_ =	shalt  }
0x7c: {  	_ =	shalt  }
0x7d: {  	_ =	shalt  }
0x7e: {  	_ =	shalt  }
0x7f: {  	_ =	shalt  }
0x80: {  	_ =	shalt  }
0x81: {  	_ =	shalt  }
0x82: {  	_ =	shalt  }
0x83: {  	_ =	shalt  }
0x84: {  	_ =	shalt  }
0x85: {  	_ =	shalt  }
0x86: {  	_ =	shalt  }
0x87: {  	_ =	shalt  }
.Lfunc_end0:
.L_simem_size_0:
called_computation.1_lowered:
.L_overlay_start_0:
0x88: {  	s2 =	sld [smem:$0x3FD9]  }
0x89: {  	s3 =	sld [smem:$0x3FFE];
	_ =	sdelay $0x1  }
0x8a: {  	s1 =	srdreg.scid  }
0x8b: {  	s0 =	sand.u32 $0x1, s1  }
0x8c: {  	s14 =	sshll.u32 s0, $0xA;
	s2 =	sadd.s32 s3, s2  }
0x8d: {  	s2 =	sadd.s32 s2, s14  }
0x8e: {  	[smem:$0x3FC0] =	sst s2  }
0x8f: {  	_ = 	snop  }
0x90: {  	s2 =	sld [smem:$0x3FD0];
	_ =	sdelay $0x2  }
0x91: {  	s15 =	simm.s32 $0xA;
	s4 =	simm.s32 $0x10  }
0x92: {  	[smem:s4], [sflag:s15] =	dma.local [hbm:s2], $0x1  }
0x93: {  	_ =	swait.eq [sflag:s15], $0x1  }
0x94: {  	[sflag:s15] =	ssyncset.done $0x0  }
0x95: {  	[sflag:s15] =	ssyncadd.s32 $0xFFFFFFFF  }
0x96: {  	s16 =	sld [smem:$0x11];
	(tm) =	ssettm $0x1  }
0x97: {  	s17 =	sld [smem:$0x3FFB];
	_ =	sdelay $0x3  }
0x98: {  	_ =	strace s17  }
0x99: {  	s3 =	sld [smem:$0x3FFC];
	_ =	sdelay $0x3  }
0x9a: {  	_ =	strace s3  }
0x9b: {  	s3 =	sld [smem:$0x3FFD];
	_ =	sdelay $0x3  }
0x9c: {  	_ =	strace s3  }
0x9d: {  	_ =	strace $0x8FFFFFFF  }
0x9e: {  	s18 =	sld [smem:$0x3FDB];
	_ =	sdelay $0x1  }
0x9f: {  	s19 =	simm.s32 $_scs_section_size  }
0xa0: {  	s5 =	simm.s32 $_size__tile_overlayer_lowered;
	s6 =	simm.s32 $_tile_overlayer_lowered  }
0xa1: {  	s22 =	simm.s32 $0x1BFF;
	s21 =	sshll.u32 s6, $0x1;
	s3 =	sadd.s32 s19, s18  }
0xa2: {  	s7 =	simm.s32 $0x0;
	s20 =	sshll.u32 s5, $0x1;
	s5 =	sadd.s32 s21, s3  }
0xa3: {  	[timem:s7], [sflag:s22] =	dma.local [hbm:s5], s20  }
0xa4: {  	_ =	swait.ge [sflag:s22], s20  }
0xa5: {  	s4 =	ssub.s32 $0x0, s20;
	[sflag:s22] =	ssyncset.done $0x0  }
0xa6: {  	[sflag:s22] =	ssyncadd.s32 s4;
	_ =	sdelay $0x1  }
0xa7: {  	s23 =	simm.s32 $0x1B8B  }
0xa8: {  	_ =	swait.ge [sflag:s23], $0x1  }
0xa9: {  	[sflag:s23] =	ssyncset.done $0x0  }
0xaa: {  	s25 =	simm.s32 $0x1B8E;
	s24 =	sld [smem:$0x3FFE];
	[sflag:s23] =	ssyncadd.s32 $0xFFFFFFFF  }
0xab: {  	s26 =	simm.s32 $execute0_lowered;
	[smem:$0x3FD2] =	sst s25  }
0xac: {  	s5 =	sshll.u32 s26, $0x1;
	_ =	strace $0x80000049;
	[dreg:$0x1] =	wrdreg $0xFFFFFFFF  }
0xad: {  	s28 =	simm.s32 $_size_execute0_lowered;
	s3 =	sadd.s32 s3, s5;
	[dreg:$0x0] =	wrdreg $0x0  }
0xae: {  	s5 =	sshll.u32 s28, $0x1;
	[dreg:$0x2] =	wrdreg s3  }
0xaf: {  	[dreg:$0x3] =	wrdreg s5  }
0xb0: {  	[dreg:$0x4] =	wrdreg $0xC0  }
0xb1: {  	_ =	task [dreg:s7], $0x5FFFF  }
0xb2: {  	[dreg:$0x1] =	wrdreg $0xFFFFFFFF  }
0xb3: {  	[dreg:$0x0] =	wrdreg $0x60  }
0xb4: {  	[dreg:$0x2] =	wrdreg s24  }
0xb5: {  	[dreg:$0x3] =	wrdreg s16  }
0xb6: {  	[dreg:$0x4] =	wrdreg $0x95000  }
0xb7: {  	[dreg:$0x5] =	wrdreg $0x9  }
0xb8: {  	_ =	task.clear_ibuf [dreg:s7], $0x6FFFF;
	_ =	strace $0x90000049  }
0xb9: {  	s29 =	simm.s32 $0x9;
	_ =	strace $0x8000004B  }
0xba: {  	_ =	swait.ge [sflag:s29], $0x1  }
0xbb: {  	[sflag:s29] =	ssyncadd.s32 $0xFFFFFFFF  }
0xbc: {  	_ =	strace $0x9000004B  }
0xbd: {  	_ =	sfence  }
0xbe: {  	s30 =	sld [smem:$0x0];
	_ =	sdelay $0x2  }
0xbf: {  	s31 =	sshll.u32 s1, $0xD;
	s1 =	sshrl.u32 s1, $0x2  }
0xc0: {  	s3 =	sand.u32 $0x4000, s31;
	s1 =	sadd.s32 s1, s30  }
0xc1: {  	s0 =	sor.u32 s3, s0;
	s1 =	sshll.u32 s1, $0x11  }
0xc2: {  	s0 =	sor.u32 s1, s0  }
0xc3: {  	s0 =	sadd.s32 $0x8F2B, s0  }
0xc4: {  	[sflag:s0] =	ssyncadd.remote.s32 $0x1  }
0xc5: {  	_ =	sfence.sel $0xFFFF  }
0xc6: {  	[dreg:$0x0] =	wrdreg $0xFFFFFFFF;
	(pc) =	sbr.abs _section_cstart, $3  }
0xc7: {  	[dreg:$0x1] =	wrdreg $0xFFFFFFFF  }
0xc8: {  	_ =	task.clear_ibuf [dreg:s7], $0x2FFFF;
	_ =	strace $0x9FFFFFFF  }
0xc9: {  	(tm) =	ssettm $0x7FFFFFFF  }
tec
execute0_lowered:
.L_overlay_start_1:
0x0: {  	(tag) =	ssettag $0x1  }
0x1: {  	s0 =	rddreg [dreg:$0x0]  }
0x2: {  	s2 =	rddreg [dreg:$0x1]  }
0x3: {  	s3 =	rddreg [dreg:$0x2];
	s1 =	srdreg.scid  }
0x4: {  	s11 =	stileid.u32;
	s4 =	simm.s32 $0x0;
	s15 =	simm.s32 $0x9100  }
0x5: {  	s16 =	simm.s32 $0x5;
	s17 =	simm.s32 $0x4000;
	s18 =	simm.s32 $0x4080  }
0x6: {  	s19 =	simm.s32 $0x50;
	s20 =	simm.s32 $0x4100;
	s22 =	simm.s32 $0x6900  }
0x7: {  	s23 =	simm.s32 $0x1;
	s24 =	simm.s32 $0x3;
	s8 =	smul.u32 $0x14000, s11  }
0x8: {  	s25 =	simm.s32 $0x2;
	s26 =	simm.s32 $0x4;
	s9 =	smul.u32 $0x50000, s11  }
0x9: {  	s1 =	sand.u32 $0x1, s1;
	s5 =	sshll.u32 s11, $0x1;
	s11 =	smul.u32 $0x7D00, s11  }
0xa: {  	s29 =	simm.s32 $0x0;
	[smem:$0x7FF] =	sst s4;
	s6 =	smul.u32 $0x140000, s1  }
0xb: {  	s7 =	sor.u32 s1, s5;
	s28 =	ssub.s32 $0x2, s1;
	s1 =	smul.u32 $0x3E80, s1  }
0xc: {  	_ =	strace $0x8000004A;
	s5 =	sshll.u32 s7, $0xB;
	s7 =	smul.u32 $0x3E80, s7  }
0xd: {  	s12 =	sshrl.u32 s28, $0x1;
	s30 =	sshrl.u32 s9, $0x2;
	s10 =	sadd.s32 s5, s0  }
0xe: {  	s5 =	sadd.s32 $0x61C00, s0;
	s6 =	sadd.s32 s8, s6;
	s12 =	ssub.s32 s28, s12  }
0xf: {  	s1 =	sadd.s32 s1, s11;
	s6 =	sshrl.u32 s6, $0x3;
	s31 =	sshrl.u32 s7, $0x3  }
0x10: {  	s7 =	sadd.s32 $0x1C00, s10;
	s11 =	sadd.s32 $0x180, s1;
	s0 =	sadd.s32 s6, s0  }
0x11: {  	s6 =	sadd.s32 s30, s3;
	s8 =	sadd.s32 s5, s31;
	s13 =	sshrl.u32 s11, $0x3  }
0x12: {  	s11 =	smax.u32 s12, $0x1;
	s9 =	sadd.s32 $0x10, s8;
	s10 =	sadd.s32 $0x7C0, s8  }
0x13: {  	v0 =	vimm.f32 $0.0e+00;
	s12 =	sadd.s32 s13, s5;
	s13 =	sadd.s32 $0x100, s1;
	s14 =	sadd.s32 $0x71600, s0  }
.LBB2_1:
0x14: {  	s0 =	simm.s32 $0x0;
	s1 =	simm.s32 $0x0  }
.LBB2_2:
0x15: {  	p0 =	sne.s32 s1, $0xFC0  }
.Ltmp0:
0x16: {  	_ = 	snop;
	(pc) =	sbr.rel @p0 .LBB2_2-.Ltmp0, $4  }
0x17: {  	s30 =	sand.u32 $0xE00, s1  }
0x18: {  	s31 =	sand.u32 $0x70, s0;
	s30 =	sshrl.u32 s30, $0x2  }
0x19: {  	s30 =	sor.u32 s31, s30  }
0x1a: {  	s0 =	sadd.s32 $0x10, s0;
	s1 =	sadd.s32 $0x40, s1;
	[tilespmem:s30+$0x9100] =	vst v0  }
0x1b: {  	s0 =	sadd.s32 $0x0, s6  }
0x1c: {  	[spmem:s0] =	stream.linear.scatter [tilespmem:s15], [sflag:$0x5], $0x400, $0x38;
	[tilespmem:$0x1D500] =	vst v63  }
0x1d: {  	s0 =	simm.s32 $0x1000;
	_ =	swait.ge [sflag:s16], $0x400  }
.LBB2_4:
0x1e: {  	s1 =	sshra.s32 s0, $0x2;
	[sflag:s16] =	ssyncset.done $0x0;
	p0 =	sne.s32 s0, $0x4F000  }
.Ltmp1:
0x1f: {  	s1 =	sadd.s32 s1, s6;
	[sflag:s16] =	ssyncadd.s32 $0xFFFFFC00;
	(pc) =	sbr.rel @p0 .LBB2_4-.Ltmp1, $3  }
0x20: {  	[spmem:s1] =	stream.linear.scatter [tilespmem:s15], [sflag:$0x5], $0x400, $0x38;
	[tilespmem:$0x1D500] =	vst v63  }
0x21: {  	s0 =	sadd.s32 $0x1000, s0;
	_ =	sdelay $0x1  }
0x22: {  	_ =	swait.ge [sflag:s16], $0x400  }
0x23: {  	[sflag:s16] =	ssyncset.done $0x0  }
0x24: {  	[sflag:s16] =	ssyncadd.s32 $0xFFFFFC00  }
0x25: {  	s0 =	simm.s32 $0x0;
	[bflag:$0x0] =	sbarrier.arrive $0xFFFF  }
0x26: {  	[tilespmem:s0], [sflag:$0x5] =	stream.linear.gather [hbm4b:s7+s0], $0x3E80, $0x38;
	[tilespmem:$0x1D500] =	vst v63  }
0x27: {  	_ =	swait.ge [sflag:s16], $0x3E80  }
0x28: {  	[sflag:s16] =	ssyncset.done $0x0  }
0x29: {  	[sflag:s16] =	ssyncadd.s32 $0xFFFFC180  }
0x2a: {  	[tilespmem:s17], [sflag:$0x3] =	stream.linear.gather [hbm4b:s8+s0], $0x80, $0x38;
	[tilespmem:$0x1D500] =	vst v63  }
0x2b: {  	_ = 	snop  }
0x2c: {  	[tilespmem:s18], [sflag:$0x4] =	stream.linear.gather [hbm4b:s9+s0], $0x80, $0x38;
	[tilespmem:$0x1D500] =	vst v63  }
0x2d: {  	_ = 	snop  }
0x2e: {  	[tilespmem:s20], [sflag:$0x1] =	stream.indirect.gather [hbm4b:s2+s19], $0x80, s0, s19, $0xb8;
	[tilespmem:$0x1D500] =	vst v63  }
0x2f: {  	s28 =	simm.s32 $0x80  }
0x30: {  	[tilespmem:s22], [sflag:$0x2] =	stream.indirect.gather [hbm4b:s2+s19], $0x80, s28, s19, $0xb8;
	[tilespmem:$0x1D500] =	vst v63  }
0x31: {  	_ =	swait.ge [sflag:s23], $0x2800  }
0x32: {  	[sflag:s23] =	ssyncset.done $0x0  }
0x33: {  	[sflag:s23] =	ssyncadd.s32 $0xFFFFD800  }
0x34: {  	_ =	swait.ge [sflag:s24], $0x80  }
0x35: {  	[sflag:s24] =	ssyncset.done $0x0  }
0x36: {  	[sflag:s24] =	ssyncadd.s32 $0xFFFFFF80  }
0x37: {  	[spmem:s3] =	stream.indirect.scatter.add.f32 [tilespmem:s20], [sflag:$0x5], $0x80, s17, s19, $0xb8;
	[tilespmem:$0x1D500] =	vst v63  }
0x38: {  	_ =	swait.ge [sflag:s16], $0x2800  }
0x39: {  	s1 =	sshrl.u32 s13, $0x3;
	[sflag:s16] =	ssyncset.done $0x0  }
0x3a: {  	s0 =	sadd.s32 s5, s1;
	[sflag:s16] =	ssyncadd.s32 $0xFFFFD800  }
0x3b: {  	[tilespmem:s17], [sflag:$0x3] =	stream.linear.gather [hbm4b:s0+s4], $0x80, $0x38;
	[tilespmem:$0x1D500] =	vst v63  }
0x3c: {  	s21 =	simm.s32 $0x100  }
0x3d: {  	[tilespmem:s20], [sflag:$0x1] =	stream.indirect.gather [hbm4b:s2+s19], $0x80, s21, s19, $0xb8;
	[tilespmem:$0x1D500] =	vst v63  }
0x3e: {  	_ =	swait.ge [sflag:s25], $0x2800  }
0x3f: {  	[sflag:s25] =	ssyncset.done $0x0  }
0x40: {  	[sflag:s25] =	ssyncadd.s32 $0xFFFFD800  }
0x41: {  	_ =	swait.ge [sflag:s26], $0x80  }
0x42: {  	[sflag:s26] =	ssyncset.done $0x0  }
0x43: {  	[sflag:s26] =	ssyncadd.s32 $0xFFFFFF80  }
0x44: {  	[spmem:s3] =	stream.indirect.scatter.add.f32 [tilespmem:s22], [sflag:$0x5], $0x80, s18, s19, $0xb8;
	[tilespmem:$0x1D500] =	vst v63  }
0x45: {  	s30 =	simm.s32 $0x180;
	_ =	swait.ge [sflag:s16], $0x2800  }
0x46: {  	s31 =	simm.s32 $0x20;
	s1 =	sadd.s32 $0x100, s13;
	[sflag:s16] =	ssyncset.done $0x0  }
0x47: {  	s28 =	sadd.s32 $0x0, s12;
	s0 =	simm.s32 $0x280;
	[sflag:s16] =	ssyncadd.s32 $0xFFFFD800  }
0x48: {  	[tilespmem:s18], [sflag:$0x4] =	stream.linear.gather [hbm4b:s28+s4], $0x80, $0x38;
	[tilespmem:$0x1D500] =	vst v63  }
.LBB2_6:
0x49: {  	[tilespmem:s22], [sflag:$0x2] =	stream.indirect.gather [hbm4b:s2+s19], $0x80, s30, s19, $0xb8;
	[tilespmem:$0x1D500] =	vst v63  }
0x4a: {  	s21 =	smov.u32 s31;
	s30 =	smov.u32 s0  }
0x4b: {  	p0 =	sne.s32 s31, $0x780;
	s31 =	sadd.s32 $0x20, s31;
	_ =	swait.ge [sflag:s23], $0x2800  }
0x4c: {  	[sflag:s23] =	ssyncset.done $0x0  }
0x4d: {  	[sflag:s23] =	ssyncadd.s32 $0xFFFFD800  }
0x4e: {  	_ =	swait.ge [sflag:s24], $0x80  }
0x4f: {  	[sflag:s24] =	ssyncset.done $0x0  }
0x50: {  	[sflag:s24] =	ssyncadd.s32 $0xFFFFFF80  }
0x51: {  	[spmem:s3] =	stream.indirect.scatter.add.f32 [tilespmem:s20], [sflag:$0x5], $0x80, s17, s19, $0xb8;
	[tilespmem:$0x1D500] =	vst v63  }
0x52: {  	_ =	swait.ge [sflag:s16], $0x2800  }
0x53: {  	s28 =	sshrl.u32 s1, $0x3;
	[sflag:s16] =	ssyncset.done $0x0  }
0x54: {  	s28 =	sadd.s32 s5, s28;
	[sflag:s16] =	ssyncadd.s32 $0xFFFFD800  }
0x55: {  	[tilespmem:s17], [sflag:$0x3] =	stream.linear.gather [hbm4b:s28+s4], $0x80, $0x38;
	[tilespmem:$0x1D500] =	vst v63  }
0x56: {  	s28 =	sadd.s32 $0xFFFFFF80, s0  }
0x57: {  	[tilespmem:s20], [sflag:$0x1] =	stream.indirect.gather [hbm4b:s2+s19], $0x80, s28, s19, $0xb8;
	[tilespmem:$0x1D500] =	vst v63  }
0x58: {  	_ =	swait.ge [sflag:s25], $0x2800  }
0x59: {  	[sflag:s25] =	ssyncset.done $0x0  }
0x5a: {  	[sflag:s25] =	ssyncadd.s32 $0xFFFFD800  }
0x5b: {  	_ =	swait.ge [sflag:s26], $0x80  }
0x5c: {  	[sflag:s26] =	ssyncset.done $0x0  }
0x5d: {  	[sflag:s26] =	ssyncadd.s32 $0xFFFFFF80  }
0x5e: {  	[spmem:s3] =	stream.indirect.scatter.add.f32 [tilespmem:s22], [sflag:$0x5], $0x80, s18, s19, $0xb8;
	[tilespmem:$0x1D500] =	vst v63  }
.Ltmp2:
0x5f: {  	_ =	swait.ge [sflag:s16], $0x2800;
	(pc) =	sbr.rel @p0 .LBB2_6-.Ltmp2, $4  }
0x60: {  	[sflag:s16] =	ssyncset.done $0x0  }
0x61: {  	s21 =	sadd.s32 s21, s12;
	[sflag:s16] =	ssyncadd.s32 $0xFFFFD800  }
0x62: {  	[tilespmem:s18], [sflag:$0x4] =	stream.linear.gather [hbm4b:s21+s4], $0x80, $0x38;
	[tilespmem:$0x1D500] =	vst v63  }
0x63: {  	s1 =	sadd.s32 $0x100, s1;
	s0 =	sadd.s32 $0x100, s0  }
0x64: {  	[tilespmem:s22], [sflag:$0x2] =	stream.indirect.gather [hbm4b:s2+s19], $0x80, s30, s19, $0xb8;
	[tilespmem:$0x1D500] =	vst v63  }
0x65: {  	_ =	swait.ge [sflag:s23], $0x2800  }
0x66: {  	[sflag:s23] =	ssyncset.done $0x0  }
0x67: {  	[sflag:s23] =	ssyncadd.s32 $0xFFFFD800  }
0x68: {  	_ =	swait.ge [sflag:s24], $0x80  }
0x69: {  	[sflag:s24] =	ssyncset.done $0x0  }
0x6a: {  	[sflag:s24] =	ssyncadd.s32 $0xFFFFFF80  }
0x6b: {  	[spmem:s3] =	stream.indirect.scatter.add.f32 [tilespmem:s20], [sflag:$0x5], $0x80, s17, s19, $0xb8;
	[tilespmem:$0x1D500] =	vst v63  }
0x6c: {  	_ =	swait.ge [sflag:s16], $0x2800  }
0x6d: {  	[sflag:s16] =	ssyncset.done $0x0  }
0x6e: {  	s0 =	simm.s32 $0x0;
	[sflag:s16] =	ssyncadd.s32 $0xFFFFD800  }
0x6f: {  	[tilespmem:s17], [sflag:$0x3] =	stream.linear.gather [hbm4b:s10+s0], $0x80, $0x38;
	[tilespmem:$0x1D500] =	vst v63  }
0x70: {  	s30 =	simm.s32 $0x3E00  }
0x71: {  	[tilespmem:s20], [sflag:$0x1] =	stream.indirect.gather [hbm4b:s2+s19], $0x80, s30, s19, $0xb8;
	[tilespmem:$0x1D500] =	vst v63  }
0x72: {  	_ =	swait.ge [sflag:s25], $0x2800  }
0x73: {  	[sflag:s25] =	ssyncset.done $0x0  }
0x74: {  	[sflag:s25] =	ssyncadd.s32 $0xFFFFD800  }
0x75: {  	_ =	swait.ge [sflag:s26], $0x80  }
0x76: {  	[sflag:s26] =	ssyncset.done $0x0  }
0x77: {  	[sflag:s26] =	ssyncadd.s32 $0xFFFFFF80  }
0x78: {  	[spmem:s3] =	stream.indirect.scatter.add.f32 [tilespmem:s22], [sflag:$0x5], $0x80, s18, s19, $0xb8;
	[tilespmem:$0x1D500] =	vst v63  }
0x79: {  	_ =	swait.ge [sflag:s16], $0x2800  }
0x7a: {  	[sflag:s16] =	ssyncset.done $0x0  }
0x7b: {  	[sflag:s16] =	ssyncadd.s32 $0xFFFFD800  }
0x7c: {  	_ =	swait.ge [sflag:s23], $0x2800  }
0x7d: {  	[sflag:s23] =	ssyncset.done $0x0  }
0x7e: {  	[sflag:s23] =	ssyncadd.s32 $0xFFFFD800  }
0x7f: {  	_ =	swait.ge [sflag:s24], $0x80  }
0x80: {  	[sflag:s24] =	ssyncset.done $0x0  }
0x81: {  	[sflag:s24] =	ssyncadd.s32 $0xFFFFFF80  }
0x82: {  	[spmem:s3] =	stream.indirect.scatter.add.f32 [tilespmem:s20], [sflag:$0x5], $0x80, s17, s19, $0xb8;
	[tilespmem:$0x1D500] =	vst v63  }
0x83: {  	_ =	swait.ge [sflag:s16], $0x2800  }
0x84: {  	[sflag:s16] =	ssyncset.done $0x0  }
0x85: {  	[sflag:s16] =	ssyncadd.s32 $0xFFFFD800  }
0x86: {  	[bflag:$0x0] =	sbarrier.arrive $0xFFFF  }
0x87: {  	[tilespmem:s15], [sflag:$0x5] =	stream.linear.gather [spmem:s6], $0x400, $0x38;
	[tilespmem:$0x1D500] =	vst v63  }
0x88: {  	_ =	swait.ge [sflag:s16], $0x400  }
0x89: {  	[sflag:s16] =	ssyncset.done $0x0  }
0x8a: {  	s31 =	sadd.s32 $0x0, s14;
	[sflag:s16] =	ssyncadd.s32 $0xFFFFFC00  }
0x8b: {  	[hbm4b:s31+s4] =	stream.linear.scatter [tilespmem:s15], [sflag:$0x5], $0x400, $0x38;
	[tilespmem:$0x1D500] =	vst v63  }
0x8c: {  	_ =	swait.ge [sflag:s16], $0x400  }
0x8d: {  	s1 =	smov.u32 s6;
	s0 =	simm.s32 $0x80;
	[sflag:s16] =	ssyncset.done $0x0  }
.LBB2_8:
0x8e: {  	p0 =	sne.s32 s0, $0x2780;
	[sflag:s16] =	ssyncadd.s32 $0xFFFFFC00;
	s1 =	sadd.s32 $0x400, s1  }
0x8f: {  	[tilespmem:s15], [sflag:$0x5] =	stream.linear.gather [spmem:s1], $0x400, $0x38;
	[tilespmem:$0x1D500] =	vst v63  }
0x90: {  	s21 =	smov.u32 s0;
	s0 =	sadd.s32 $0x80, s0;
	_ =	swait.ge [sflag:s16], $0x400  }
.Ltmp3:
0x91: {  	[sflag:s16] =	ssyncset.done $0x0;
	(pc) =	sbr.rel @p0 .LBB2_8-.Ltmp3, $4  }
0x92: {  	s21 =	sadd.s32 s21, s14;
	[sflag:s16] =	ssyncadd.s32 $0xFFFFFC00  }
0x93: {  	[hbm4b:s21+s4] =	stream.linear.scatter [tilespmem:s15], [sflag:$0x5], $0x400, $0x38;
	[tilespmem:$0x1D500] =	vst v63  }
0x94: {  	_ =	swait.ge [sflag:s16], $0x400  }
0x95: {  	[sflag:s16] =	ssyncset.done $0x0  }
0x96: {  	s29 =	sadd.s32 $0x1, s29  }
0x97: {  	p0 =	sne.s32 s29, s11  }
.Ltmp4:
0x98: {  	_ = 	snop;
	(pc) =	sbr.rel @p0 .LBB2_1-.Ltmp4, $2  }
0x99: {  	_ =	sdelay $0x2  }
0x9a: {  	[sflag:s16] =	ssyncadd.s32 $0xFFFFFC00  }
0x9b: {  	_ =	sfence.sel $0x180000  }
0x9c: {  	[bflag:$0x0] =	sbarrier.arrive $0xFFFF  }
0x9d: {  	_ =	strace $0x9000004A  }
0x9e: {  	s0 =	stileid.u32;
	[bflag:$0x2] =	sbarrier.arrive $0xFFFF  }
0x9f: {  	p0 =	sne.s32 s0, $0x0;
	s0 =	rddreg [dreg:$0x3]  }
0xa0: {  	s0 =	sadd.s32 @!p0 $0x100000, s0  }
0xa1: {  	[sflag:s0] =	ssyncadd.tile.s32 @!p0 $0x1;
	_ =	shalt  }
.Lfunc_end2:
_tile_overlayer_lowered:
.L_overlay_start_2:
0xa2: {  	(tag) =	ssettag $0x2  }
0xa3: {  	s0 =	rddreg [dreg:$0x0];
	s2 =	stileid.u32  }
0xa4: {  	s1 =	rddreg [dreg:$0x1];
	p0 =	sne.s32 s2, $0x0  }
0xa5: {  	s3 =	rddreg [dreg:$0x2];
	[bflag:$0x3] =	sbarrier.arrive $0xFFFF;
	s2 =	simm.s32 @!p0 $0x1C05  }
0xa6: {  	[timem:s3], [sflag:s2] =	dma.local @!p0 [hbm:s0], s1  }
0xa7: {  	s0 =	simm.s32 @!p0 $0x5  }
0xa8: {  	_ =	swait.ge @!p0 [sflag:s0], s1  }
0xa9: {  	s1 =	ssub.s32 @!p0 $0x0, s1;
	[sflag:s0] =	ssyncset.done @!p0 $0x0  }
0xaa: {  	[sflag:s0] =	ssyncadd.s32 @!p0 s1  }
0xab: {  	[bflag:$0x3] =	sbarrier.arrive $0xFFFF  }
0xac: {  	_ =	shalt  }

// kernel: kernel.7.cloned.1.call-start
scs
__scs_entry_jumppad:
0x0: {  	(pc) =	sbr.rel $0x88, $3  }
0x1: {  	(tag) =	ssettag $0x0;
	lr =	simm.s32 $0x1  }
0x2: {  	[smem:$0x3F99] =	sst lr;
	_ =	strace $0xD0000000  }
0x3: {  	_ = 	snop  }
0x4: {  	_ = 	snop  }
0x5: {  	_ = 	snop  }
0x6: {  	_ = 	snop  }
0x7: {  	_ = 	snop  }
__scs_overlays_trampoline_lowered:
0x8: {  	[smem:$0x3FA8] =	sst s0  }
0x9: {  	[smem:$0x3FA9] =	sst s1  }
0xa: {  	[smem:$0x3FAA] =	sst s2  }
0xb: {  	[smem:$0x3FAB] =	sst s3  }
0xc: {  	[smem:$0x3FAC] =	sst s4  }
0xd: {  	[smem:$0x3FAD] =	sst s5  }
0xe: {  	[smem:$0x3FAE] =	sst s6  }
0xf: {  	[smem:$0x3FAF] =	sst s7  }
0x10: {  	[smem:$0x3FB0] =	sst s8  }
0x11: {  	[smem:$0x3FB1] =	sst s9;
	s0 =	simm.s32 @!p0 $0x0  }
0x12: {  	s1 =	sld [smem:$0x3F97];
	s0 =	simm.s32 @p0 $0x1  }
0x13: {  	[smem:$0x3FB2] =	sst s0;
	s0 =	simm.s32 @!p1 $0x0  }
0x14: {  	s2 =	sld [smem:$0x3F96];
	s0 =	simm.s32 @p1 $0x1  }
0x15: {  	[smem:$0x3FB3] =	sst s0;
	s0 =	simm.s32 @!p2 $0x0  }
0x16: {  	s3 =	sld [smem:$0x3FDB];
	s0 =	simm.s32 @p2 $0x1  }
0x17: {  	s4 =	simm.s32 $0x1BF5;
	[smem:$0x3FB5] =	sst s0  }
0x18: {  	s0 =	sld [smem:$0x3F98];
	_ =	swait.ge [sflag:s4], $0x0  }
0x19: {  	s7 =	sld [smem:$0x3F99]  }
0x1a: {  	s8 =	sadd.s32 $0xFFFFE003, lr  }
0x1b: {  	s9 =	sadd.s32 $0xFFFFFEF7, lr;
	s5 =	simm.s32 $0xFFFFFFFF;
	p2 =	slt.u32 s8, $0xFFFFF086  }
0x1c: {  	p1 =	slt.u32 s9, $0xF7A;
	s5 =	simm.s32 @!p2 $0x0  }
0x1d: {  	s5 =	simm.s32 @p1 $0x1;
	p0 =	seq.s32 s7, s2  }
0x1e: {  	s7 =	smul.u32 @!p0 $0xF7A, s2;
	p2 =	seq.s32 @!p0 s5, $0x0  }
0x1f: {  	s9 =	smul.u32 $0xF7A, s1;
	s8 =	simm.s32 @!p0 $0x1BF5;
	p2 =	por !p2, p0  }
0x20: {  	[sflag:s8] =	ssyncset.s32 @!p0 $0xFFFFF086;
	s6 =	sadd.s32 @!p0 s3, s7;
	s7 =	simm.s32 @!p0 $0x108  }
0x21: {  	s3 =	sadd.s32 s3, s9;
	s6 =	sadd.s32 @!p0 $0x88, s6;
	s7 =	simm.s32 @p2 $0x1082  }
0x22: {  	[simem:s7], [sflag:s8] =	dma.local @!p0 [hbm:s6], $0xF7A  }
0x23: {  	s9 =	sor.u32 $0xD0000000, s2;
	s6 =	simm.s32 $0x108;
	_ =	swait.ge @!p0 [sflag:s8], $0x0  }
0x24: {  	s3 =	sadd.s32 $0x88, s3;
	s6 =	simm.s32 @!p1 $0x1082;
	[sflag:s4] =	ssyncset.s32 $0xFFFFF086  }
0x25: {  	[simem:s6], [sflag:s4] =	dma.local [hbm:s3], $0xF7A  }
0x26: {  	[smem:$0x3F99] =	sst s1;
	(tag) =	ssettag s2;
	_ =	strace s9  }
0x27: {  	s1 =	sld [smem:$0x3FA9]  }
0x28: {  	s2 =	sld [smem:$0x3FAA]  }
0x29: {  	s4 =	sld [smem:$0x3FAC]  }
0x2a: {  	p0 =	seq.s32 s5, $0x0;
	s5 =	sld [smem:$0x3FAD]  }
0x2b: {  	s6 =	sld [smem:$0x3FAE]  }
0x2c: {  	s7 =	sld [smem:$0x3FAF]  }
0x2d: {  	s3 =	simm.s32 $0x108;
	s8 =	sld [smem:$0x3FB0]  }
0x2e: {  	s3 =	simm.s32 @!p0 $0x1082;
	s9 =	sld [smem:$0x3FB1]  }
0x2f: {  	lr =	sadd.s32 s0, s3;
	s0 =	sld [smem:$0x3FA8]  }
0x30: {  	s3 =	sld [smem:$0x3FAB]  }
0x31: {  	[smem:$0x3FB4] =	sst s10  }
0x32: {  	s10 =	sld [smem:$0x3FB2];
	_ =	sdelay $0x3  }
0x33: {  	p0 =	seq.s32 s10, $0x1;
	s10 =	sld [smem:$0x3FB4];
	_ =	sdelay $0x3  }
0x34: {  	[smem:$0x3FB4] =	sst s10  }
0x35: {  	s10 =	sld [smem:$0x3FB3];
	_ =	sdelay $0x3  }
0x36: {  	p1 =	seq.s32 s10, $0x1;
	s10 =	sld [smem:$0x3FB4];
	_ =	sdelay $0x3  }
0x37: {  	[smem:$0x3FB4] =	sst s10  }
0x38: {  	s10 =	sld [smem:$0x3FB5]  }
0x39: {  	_ = 	snop;
	(pc) =	sbr.ind lr, $3  }
0x3a: {  	_ = 	snop  }
0x3b: {  	_ = 	snop  }
0x3c: {  	p2 =	seq.s32 s10, $0x1;
	s10 =	sld [smem:$0x3FB4]  }
0x3d: {  	_ =	shalt  }
0x3e: {  	_ =	shalt  }
0x3f: {  	_ =	shalt  }
0x40: {  	_ =	shalt  }
0x41: {  	_ =	shalt  }
0x42: {  	_ =	shalt  }
0x43: {  	_ =	shalt  }
0x44: {  	_ =	shalt  }
0x45: {  	_ =	shalt  }
0x46: {  	_ =	shalt  }
0x47: {  	_ =	shalt  }
0x48: {  	_ =	shalt  }
0x49: {  	_ =	shalt  }
0x4a: {  	_ =	shalt  }
0x4b: {  	_ =	shalt  }
0x4c: {  	_ =	shalt  }
0x4d: {  	_ =	shalt  }
0x4e: {  	_ =	shalt  }
0x4f: {  	_ =	shalt  }
0x50: {  	_ =	shalt  }
0x51: {  	_ =	shalt  }
0x52: {  	_ =	shalt  }
0x53: {  	_ =	shalt  }
0x54: {  	_ =	shalt  }
0x55: {  	_ =	shalt  }
0x56: {  	_ =	shalt  }
0x57: {  	_ =	shalt  }
0x58: {  	_ =	shalt  }
0x59: {  	_ =	shalt  }
0x5a: {  	_ =	shalt  }
0x5b: {  	_ =	shalt  }
0x5c: {  	_ =	shalt  }
0x5d: {  	_ =	shalt  }
0x5e: {  	_ =	shalt  }
0x5f: {  	_ =	shalt  }
0x60: {  	_ =	shalt  }
0x61: {  	_ =	shalt  }
0x62: {  	_ =	shalt  }
0x63: {  	_ =	shalt  }
0x64: {  	_ =	shalt  }
0x65: {  	_ =	shalt  }
0x66: {  	_ =	shalt  }
0x67: {  	_ =	shalt  }
0x68: {  	_ =	shalt  }
0x69: {  	_ =	shalt  }
0x6a: {  	_ =	shalt  }
0x6b: {  	_ =	shalt  }
0x6c: {  	_ =	shalt  }
0x6d: {  	_ =	shalt  }
0x6e: {  	_ =	shalt  }
0x6f: {  	_ =	shalt  }
0x70: {  	_ =	shalt  }
0x71: {  	_ =	shalt  }
0x72: {  	_ =	shalt  }
0x73: {  	_ =	shalt  }
0x74: {  	_ =	shalt  }
0x75: {  	_ =	shalt  }
0x76: {  	_ =	shalt  }
0x77: {  	_ =	shalt  }
0x78: {  	_ =	shalt  }
0x79: {  	_ =	shalt  }
0x7a: {  	_ =	shalt  }
0x7b: {  	_ =	shalt  }
0x7c: {  	_ =	shalt  }
0x7d: {  	_ =	shalt  }
0x7e: {  	_ =	shalt  }
0x7f: {  	_ =	shalt  }
0x80: {  	_ =	shalt  }
0x81: {  	_ =	shalt  }
0x82: {  	_ =	shalt  }
0x83: {  	_ =	shalt  }
0x84: {  	_ =	shalt  }
0x85: {  	_ =	shalt  }
0x86: {  	_ =	shalt  }
0x87: {  	_ =	shalt  }
.Lfunc_end0:
.L_simem_size_0:
called_computation_lowered:
.L_overlay_start_0:
0x88: {  	s2 =	sld [smem:$0x3FD9]  }
0x89: {  	s3 =	sld [smem:$0x3FFE];
	_ =	sdelay $0x1  }
0x8a: {  	s1 =	srdreg.scid  }
0x8b: {  	s0 =	sand.u32 $0x1, s1  }
0x8c: {  	s16 =	sshll.u32 s0, $0xA;
	s2 =	sadd.s32 s3, s2  }
0x8d: {  	s2 =	sadd.s32 s2, s16  }
0x8e: {  	[smem:$0x3FC0] =	sst s2  }
0x8f: {  	_ = 	snop  }
0x90: {  	(tm) =	ssettm $0x1  }
0x91: {  	s17 =	sld [smem:$0x3FFB];
	_ =	sdelay $0x3  }
0x92: {  	_ =	strace s17  }
0x93: {  	s2 =	sld [smem:$0x3FFC];
	_ =	sdelay $0x3  }
0x94: {  	_ =	strace s2  }
0x95: {  	s2 =	sld [smem:$0x3FFD];
	_ =	sdelay $0x3  }
0x96: {  	_ =	strace s2  }
0x97: {  	_ =	strace $0x8FFFFFFF  }
0x98: {  	s18 =	sld [smem:$0x3FDB];
	_ =	sdelay $0x1  }
0x99: {  	s19 =	simm.s32 $_scs_section_size  }
0x9a: {  	s4 =	simm.s32 $_size__tile_overlayer_lowered;
	s5 =	simm.s32 $_tile_overlayer_lowered  }
0x9b: {  	s22 =	simm.s32 $0x1BFF;
	s21 =	sshll.u32 s5, $0x1;
	s2 =	sadd.s32 s19, s18  }
0x9c: {  	s6 =	simm.s32 $0x0;
	s20 =	sshll.u32 s4, $0x1;
	s4 =	sadd.s32 s21, s2  }
0x9d: {  	[timem:s6], [sflag:s22] =	dma.local [hbm:s4], s20  }
0x9e: {  	_ =	swait.ge [sflag:s22], s20  }
0x9f: {  	s3 =	ssub.s32 $0x0, s20;
	[sflag:s22] =	ssyncset.done $0x0  }
0xa0: {  	[sflag:s22] =	ssyncadd.s32 s3;
	_ =	sdelay $0x1  }
0xa1: {  	s23 =	simm.s32 $0x1B8B  }
0xa2: {  	_ =	swait.ge [sflag:s23], $0x1  }
0xa3: {  	[sflag:s23] =	ssyncset.done $0x0  }
0xa4: {  	s25 =	simm.s32 $0x1B8E;
	s24 =	sld [smem:$0x3FFE];
	[sflag:s23] =	ssyncadd.s32 $0xFFFFFFFF  }
0xa5: {  	s26 =	simm.s32 $execute0_lowered;
	[smem:$0x3FD2] =	sst s25  }
0xa6: {  	s4 =	sshll.u32 s26, $0x1;
	_ =	strace $0x80000046;
	[dreg:$0x1] =	wrdreg $0xFFFFFFFF  }
0xa7: {  	s28 =	simm.s32 $_size_execute0_lowered;
	s2 =	sadd.s32 s2, s4;
	[dreg:$0x0] =	wrdreg $0x0  }
0xa8: {  	s4 =	sshll.u32 s28, $0x1;
	[dreg:$0x2] =	wrdreg s2  }
0xa9: {  	[dreg:$0x3] =	wrdreg s4  }
0xaa: {  	[dreg:$0x4] =	wrdreg $0xC0  }
0xab: {  	_ =	task [dreg:s6], $0x5FFFF  }
0xac: {  	[dreg:$0x1] =	wrdreg $0xFFFFFFFF  }
0xad: {  	[dreg:$0x0] =	wrdreg $0x60  }
0xae: {  	[dreg:$0x2] =	wrdreg s24  }
0xaf: {  	[dreg:$0x3] =	wrdreg $0x6C000  }
0xb0: {  	[dreg:$0x4] =	wrdreg $0x9  }
0xb1: {  	_ =	task.clear_ibuf [dreg:s6], $0x5FFFF;
	_ =	strace $0x90000046  }
0xb2: {  	s29 =	simm.s32 $0x9;
	_ =	strace $0x80000048  }
0xb3: {  	_ =	swait.ge [sflag:s29], $0x1  }
0xb4: {  	[sflag:s29] =	ssyncadd.s32 $0xFFFFFFFF  }
0xb5: {  	_ =	strace $0x90000048  }
0xb6: {  	_ =	sfence  }
0xb7: {  	s30 =	sld [smem:$0x0];
	_ =	sdelay $0x2  }
0xb8: {  	s31 =	sshll.u32 s1, $0xD;
	s1 =	sshrl.u32 s1, $0x2  }
0xb9: {  	s3 =	sand.u32 $0x4000, s31;
	s1 =	sadd.s32 s1, s30  }
0xba: {  	s0 =	sor.u32 s3, s0;
	s1 =	sshll.u32 s1, $0x11  }
0xbb: {  	s0 =	sor.u32 s1, s0  }
0xbc: {  	s0 =	sadd.s32 $0x8F2B, s0  }
0xbd: {  	[sflag:s0] =	ssyncadd.remote.s32 $0x1  }
0xbe: {  	_ =	sfence.sel $0xFFFF  }
0xbf: {  	[dreg:$0x0] =	wrdreg $0xFFFFFFFF;
	(pc) =	sbr.abs _section_cstart, $3  }
0xc0: {  	[dreg:$0x1] =	wrdreg $0xFFFFFFFF  }
0xc1: {  	_ =	task.clear_ibuf [dreg:s6], $0x2FFFF;
	_ =	strace $0x9FFFFFFF  }
0xc2: {  	(tm) =	ssettm $0x7FFFFFFF  }
0xc3: {  	_ =	shalt  }
tec
execute0_lowered:
.L_overlay_start_1:
0x0: {  	(tag) =	ssettag $0x1  }
0x1: {  	s4 =	rddreg [dreg:$0x0]  }
0x2: {  	s0 =	srdreg.scid;
	s2 =	rddreg [dreg:$0x1]  }
0x3: {  	s1 =	stileid.u32;
	s3 =	simm.s32 $0x0;
	s11 =	simm.s32 $0x4000  }
0x4: {  	s12 =	simm.s32 $0x80;
	s13 =	simm.s32 $0x1;
	s14 =	simm.s32 $0x2  }
0x5: {  	s15 =	simm.s32 $0x3E00;
	s16 =	simm.s32 $0x0;
	s7 =	smul.u32 $0x14000, s1  }
0x6: {  	s5 =	sand.u32 $0x1, s0;
	s0 =	rddreg [dreg:$0x2];
	s8 =	smul.u32 $0x50000, s1  }
0x7: {  	[smem:$0x7FF] =	sst s3;
	s30 =	sshll.u32 s1, $0xC;
	s6 =	smul.u32 $0x140000, s5  }
0x8: {  	_ =	strace $0x80000047;
	s26 =	sshll.u32 s5, $0xB;
	s28 =	ssub.s32 $0x2, s5  }
0x9: {  	s5 =	sshrl.u32 s28, $0x1;
	s29 =	sshrl.u32 s8, $0x2;
	s6 =	sadd.s32 s7, s6  }
0xa: {  	s8 =	simm.s32 $0x6800;
	s7 =	sadd.s32 s26, s4;
	s6 =	sshrl.u32 s6, $0x3  }
0xb: {  	s10 =	ssub.s32 s28, s5;
	s31 =	sadd.s32 s30, s7;
	s9 =	sadd.s32 s6, s4  }
0xc: {  	s4 =	sadd.s32 s29, s2;
	s5 =	sadd.s32 $0x1C00, s31;
	s6 =	smax.u32 s10, $0x1  }
0xd: {  	v0 =	vimm.f32 $0.0e+00;
	v1 =	vimm.f32 $1.000000000e+00;
	s10 =	simm.s32 $0x50;
	s7 =	sadd.s32 $0x11C00, s9;
	s9 =	simm.s32 $0x3  }
.LBB2_1:
0xe: {  	s17 =	sand.u32 $0xE00, s3  }
0xf: {  	s19 =	sand.u32 $0x70, s3;
	s17 =	sshrl.u32 s17, $0x2  }
0x10: {  	s18 =	simm.s32 $0x40;
	s20 =	sor.u32 s19, s17;
	s19 =	simm.s32 $0x0  }
.LBB2_2:
0x11: {  	p0 =	sne.s32 s18, $0xFC0  }
0x12: {  	[tilespmem:s20+$0x6800] =	vst v0;
	s19 =	sadd.s32 $0x10, s19;
	s17 =	smov.u32 s18;
	s18 =	sadd.s32 $0x40, s18  }
.Ltmp0:
0x13: {  	(pc) =	sbr.rel @p0 .LBB2_2-.Ltmp0, $4  }
0x14: {  	_ = 	snop  }
0x15: {  	s17 =	sand.u32 $0xE00, s17  }
0x16: {  	s20 =	sand.u32 $0x70, s19;
	s17 =	sshrl.u32 s17, $0x2  }
0x17: {  	s20 =	sor.u32 s20, s17;
	s17 =	simm.s32 $0x0  }
0x18: {  	s18 =	sand.u32 $0xFE00, s17  }
0x19: {  	s19 =	sand.u32 $0x70, s17;
	s21 =	sshrl.u32 s18, $0x2  }
0x1a: {  	[tilespmem:s20+$0x6800] =	vst v0;
	s18 =	simm.s32 $0x40;
	s19 =	sor.u32 s19, s21  }
.LBB2_4:
0x1b: {  	p0 =	sne.s32 s18, $0x9FC0  }
0x1c: {  	[tilespmem:s19+$0x4000] =	vst v1;
	s17 =	sadd.s32 $0x10, s17;
	s19 =	smov.u32 s18;
	s18 =	sadd.s32 $0x40, s18  }
.Ltmp1:
0x1d: {  	(pc) =	sbr.rel @p0 .LBB2_4-.Ltmp1, $4  }
0x1e: {  	_ = 	snop  }
0x1f: {  	s19 =	sand.u32 $0xFE00, s19  }
0x20: {  	s20 =	sand.u32 $0x70, s17;
	s19 =	sshrl.u32 s19, $0x2  }
0x21: {  	s19 =	sor.u32 s20, s19  }
0x22: {  	[tilespmem:s19+$0x4000] =	vst v1;
	s17 =	sadd.s32 $0x0, s4  }
0x23: {  	[spmem:s17] =	stream.linear.scatter [tilespmem:s8], [sflag:$0x3], $0x400, $0x38;
	[tilespmem:$0x1AC00] =	vst v63  }
0x24: {  	s17 =	simm.s32 $0x1000;
	_ =	swait.ge [sflag:s9], $0x400  }
.LBB2_6:
0x25: {  	s18 =	sshra.s32 s17, $0x2;
	[sflag:s9] =	ssyncset.done $0x0;
	p0 =	sne.s32 s17, $0x4F000  }
.Ltmp2:
0x26: {  	s18 =	sadd.s32 s18, s4;
	[sflag:s9] =	ssyncadd.s32 $0xFFFFFC00;
	(pc) =	sbr.rel @p0 .LBB2_6-.Ltmp2, $3  }
0x27: {  	[spmem:s18] =	stream.linear.scatter [tilespmem:s8], [sflag:$0x3], $0x400, $0x38;
	[tilespmem:$0x1AC00] =	vst v63  }
0x28: {  	s17 =	sadd.s32 $0x1000, s17;
	_ =	sdelay $0x1  }
0x29: {  	_ =	swait.ge [sflag:s9], $0x400  }
0x2a: {  	[sflag:s9] =	ssyncset.done $0x0  }
0x2b: {  	[sflag:s9] =	ssyncadd.s32 $0xFFFFFC00  }
0x2c: {  	[bflag:$0x0] =	sbarrier.arrive $0xFFFF  }
0x2d: {  	[tilespmem:s3], [sflag:$0x3] =	stream.linear.gather [hbm4b:s5+s3], $0x3E80, $0x38;
	[tilespmem:$0x1AC00] =	vst v63  }
0x2e: {  	_ =	swait.ge [sflag:s9], $0x3E80  }
0x2f: {  	[sflag:s9] =	ssyncset.done $0x0  }
0x30: {  	[sflag:s9] =	ssyncadd.s32 $0xFFFFC180  }
0x31: {  	[spmem:s2] =	stream.indirect.scatter.add.f32 [tilespmem:s11], [sflag:$0x1], $0x80, s3, s10, $0xb8;
	[tilespmem:$0x1AC00] =	vst v63  }
0x32: {  	_ = 	snop  }
0x33: {  	[spmem:s2] =	stream.indirect.scatter.add.f32 [tilespmem:s11], [sflag:$0x2], $0x80, s12, s10, $0xb8;
	[tilespmem:$0x1AC00] =	vst v63  }
0x34: {  	_ =	swait.ge [sflag:s13], $0x2800  }
0x35: {  	[sflag:s13] =	ssyncset.done $0x0  }
0x36: {  	s17 =	simm.s32 $0x100;
	[sflag:s13] =	ssyncadd.s32 $0xFFFFD800  }
0x37: {  	[spmem:s2] =	stream.indirect.scatter.add.f32 [tilespmem:s11], [sflag:$0x1], $0x80, s17, s10, $0xb8;
	[tilespmem:$0x1AC00] =	vst v63  }
0x38: {  	_ =	swait.ge [sflag:s14], $0x2800  }
0x39: {  	[sflag:s14] =	ssyncset.done $0x0  }
0x3a: {  	s18 =	simm.s32 $0x180;
	s17 =	simm.s32 $0xFFFF1000;
	[sflag:s14] =	ssyncadd.s32 $0xFFFFD800  }
.LBB2_8:
0x3b: {  	[spmem:s2] =	stream.indirect.scatter.add.f32 [tilespmem:s11], [sflag:$0x2], $0x80, s18, s10, $0xb8;
	[tilespmem:$0x1AC00] =	vst v63  }
0x3c: {  	s18 =	smov.u32 s17  }
0x3d: {  	p0 =	sne.s32 s17, $0xFFFFFC00;
	s17 =	sadd.s32 $0x400, s17;
	_ =	swait.ge [sflag:s13], $0x2800  }
0x3e: {  	s18 =	sshra.s32 s18, $0x2;
	[sflag:s13] =	ssyncset.done $0x0  }
.Ltmp3:
0x3f: {  	s19 =	sadd.s32 $0x3E00, s18;
	[sflag:s13] =	ssyncadd.s32 $0xFFFFD800;
	(pc) =	sbr.rel @p0 .LBB2_8-.Ltmp3, $4  }
0x40: {  	[spmem:s2] =	stream.indirect.scatter.add.f32 [tilespmem:s11], [sflag:$0x1], $0x80, s19, s10, $0xb8;
	[tilespmem:$0x1AC00] =	vst v63  }
0x41: {  	_ =	swait.ge [sflag:s14], $0x2800  }
0x42: {  	[sflag:s14] =	ssyncset.done $0x0  }
0x43: {  	s18 =	sadd.s32 $0x3E80, s18;
	[sflag:s14] =	ssyncadd.s32 $0xFFFFD800  }
0x44: {  	[spmem:s2] =	stream.indirect.scatter.add.f32 [tilespmem:s11], [sflag:$0x2], $0x80, s18, s10, $0xb8;
	[tilespmem:$0x1AC00] =	vst v63  }
0x45: {  	_ =	swait.ge [sflag:s13], $0x2800  }
0x46: {  	[sflag:s13] =	ssyncset.done $0x0  }
0x47: {  	[sflag:s13] =	ssyncadd.s32 $0xFFFFD800  }
0x48: {  	[spmem:s2] =	stream.indirect.scatter.add.f32 [tilespmem:s11], [sflag:$0x1], $0x80, s15, s10, $0xb8;
	[tilespmem:$0x1AC00] =	vst v63  }
0x49: {  	_ =	swait.ge [sflag:s14], $0x2800  }
0x4a: {  	[sflag:s14] =	ssyncset.done $0x0  }
0x4b: {  	[sflag:s14] =	ssyncadd.s32 $0xFFFFD800  }
0x4c: {  	_ =	swait.ge [sflag:s13], $0x2800  }
0x4d: {  	[sflag:s13] =	ssyncset.done $0x0  }
0x4e: {  	[sflag:s13] =	ssyncadd.s32 $0xFFFFD800  }
0x4f: {  	[bflag:$0x0] =	sbarrier.arrive $0xFFFF  }
0x50: {  	[tilespmem:s8], [sflag:$0x3] =	stream.linear.gather [spmem:s4], $0x400, $0x38;
	[tilespmem:$0x1AC00] =	vst v63  }
0x51: {  	_ =	swait.ge [sflag:s9], $0x400  }
0x52: {  	[sflag:s9] =	ssyncset.done $0x0  }
0x53: {  	s17 =	sadd.s32 $0x0, s7;
	[sflag:s9] =	ssyncadd.s32 $0xFFFFFC00  }
0x54: {  	[hbm4b:s17+s3] =	stream.linear.scatter [tilespmem:s8], [sflag:$0x3], $0x400, $0x38;
	[tilespmem:$0x1AC00] =	vst v63  }
0x55: {  	_ =	swait.ge [sflag:s9], $0x400  }
0x56: {  	s18 =	smov.u32 s4;
	s17 =	simm.s32 $0x80;
	[sflag:s9] =	ssyncset.done $0x0  }
.LBB2_10:
0x57: {  	p0 =	sne.s32 s17, $0x2780;
	[sflag:s9] =	ssyncadd.s32 $0xFFFFFC00;
	s18 =	sadd.s32 $0x400, s18  }
0x58: {  	[tilespmem:s8], [sflag:$0x3] =	stream.linear.gather [spmem:s18], $0x400, $0x38;
	[tilespmem:$0x1AC00] =	vst v63  }
0x59: {  	s19 =	smov.u32 s17;
	s17 =	sadd.s32 $0x80, s17;
	_ =	swait.ge [sflag:s9], $0x400  }
.Ltmp4:
0x5a: {  	[sflag:s9] =	ssyncset.done $0x0;
	(pc) =	sbr.rel @p0 .LBB2_10-.Ltmp4, $4  }
0x5b: {  	s19 =	sadd.s32 s19, s7;
	[sflag:s9] =	ssyncadd.s32 $0xFFFFFC00  }
0x5c: {  	[hbm4b:s19+s3] =	stream.linear.scatter [tilespmem:s8], [sflag:$0x3], $0x400, $0x38;
	[tilespmem:$0x1AC00] =	vst v63  }
0x5d: {  	_ =	swait.ge [sflag:s9], $0x400  }
0x5e: {  	[sflag:s9] =	ssyncset.done $0x0  }
0x5f: {  	s16 =	sadd.s32 $0x1, s16  }
0x60: {  	p0 =	sne.s32 s16, s6  }
.Ltmp5:
0x61: {  	_ = 	snop;
	(pc) =	sbr.rel @p0 .LBB2_1-.Ltmp5, $2  }
0x62: {  	_ =	sdelay $0x2  }
0x63: {  	[sflag:s9] =	ssyncadd.s32 $0xFFFFFC00  }
0x64: {  	_ =	sfence.sel $0x180000  }
0x65: {  	[bflag:$0x0] =	sbarrier.arrive $0xFFFF  }
0x66: {  	p0 =	sne.s32 s1, $0x0;
	_ =	strace $0x90000047  }
0x67: {  	s0 =	sadd.s32 @!p0 $0x100000, s0;
	[bflag:$0x2] =	sbarrier.arrive $0xFFFF  }
0x68: {  	[sflag:s0] =	ssyncadd.tile.s32 @!p0 $0x1;
	_ =	shalt  }
.Lfunc_end2:
_tile_overlayer_lowered:
.L_overlay_start_2:
0x69: {  	(tag) =	ssettag $0x2  }
0x6a: {  	s0 =	rddreg [dreg:$0x0];
	s2 =	stileid.u32  }
0x6b: {  	s1 =	rddreg [dreg:$0x1];
	p0 =	sne.s32 s2, $0x0  }
0x6c: {  	s3 =	rddreg [dreg:$0x2];
	[bflag:$0x3] =	sbarrier.arrive $0xFFFF;
	s2 =	simm.s32 @!p0 $0x1C03  }
0x6d: {  	[timem:s3], [sflag:s2] =	dma.local @!p0 [hbm:s0], s1  }
0x6e: {  	s0 =	simm.s32 @!p0 $0x3  }
0x6f: {  	_ =	swait.ge @!p0 [sflag:s0], s1  }
0x70: {  	s1 =	ssub.s32 @!p0 $0x0, s1;
	[sflag:s0] =	ssyncset.done @!p0 $0x0  }
0x71: {  	[sflag:s0] =	ssyncadd.s32 @!p0 s1  }
0x72: {  	[bflag:$0x3] =	sbarrier.arrive $0xFFFF  }
0x73: {  	_ =	shalt  }

</sc_bundles>
